<compile_context>
chip_gen: v7x
topology: tpu7x:2x2x1
jax: 0.10.2.dev20260603
libtpu: 0.0.44.dev20260713+nightly
codegen_flags: <defaults>
</compile_context>

<pallas_src>
import functools

import jax
import jax.numpy as jnp
from jax import lax
from jax.experimental import pallas as pl
from jax.experimental.pallas import tpu as pltpu
from jax.experimental.pallas import tpu_sc as plsc

_B, _N, _C = 8, 3136, 384
_H, _Dh = 8, 48
_M = 196
_CHUNK = 416
_IDX_OFF = 200
_EPS = 1e-6
_NEG = -1e30
_SCALE = 1.0 / (48.0 ** 0.5)
_RAD = 342
_PER = 56


def _sc_gather_rows(table, flat_idx):
    P = flat_idx.shape[0]
    D = table.shape[1]
    info = plsc.get_sparse_core_info()
    nw = info.num_cores * info.num_subcores
    per_w = P // nw
    mesh = plsc.VectorSubcoreMesh(core_axis_name="c", subcore_axis_name="s")

    @functools.partial(
        pl.kernel,
        mesh=mesh,
        out_type=jax.ShapeDtypeStruct((P, D), jnp.float32),
        scratch_types=[
            pltpu.VMEM((per_w,), jnp.int32),
            pltpu.VMEM((per_w, D), jnp.float32),
            pltpu.SemaphoreType.DMA,
        ],
    )
    def gather_kernel(table_hbm, idx_hbm, out_hbm, idx_v, rows_v, sem):
        wid = lax.axis_index("s") * info.num_cores + lax.axis_index("c")
        base = wid * per_w
        pltpu.sync_copy(idx_hbm.at[pl.ds(base, per_w)], idx_v)
        pltpu.async_copy(table_hbm.at[idx_v], rows_v, sem).wait()
        pltpu.sync_copy(rows_v, out_hbm.at[pl.ds(base, per_w)])

    return gather_kernel(table, flat_idx)


def _fused_body(rows_ref, x_ref, q_ref, wkv_ref, w1_ref, b1_ref, w2_ref,
                b2_ref, lnw_ref, lnb_ref, idxs_ref, wproj_ref, bproj_ref,
                out_ref, k_s, v_s):
    lnw = lnw_ref[...]
    lnb = lnb_ref[...]
    wkv = wkv_ref[...]

    def norm(xr):
        mu = jnp.mean(xr, axis=1, keepdims=True)
        xc = xr - mu
        var = jnp.mean(xc * xc, axis=1, keepdims=True)
        return xc * lax.rsqrt(var + _EPS) * lnw + lnb

    _nt = (((1,), (1,)), ((), ()))
    _nn = (((1,), (0,)), ((), ()))

    wkv16 = wkv.astype(jnp.bfloat16)
    na16 = norm(rows_ref[0:_M]).astype(jnp.bfloat16)
    nb16 = norm(rows_ref[_IDX_OFF:_IDX_OFF + _M]).astype(jnp.bfloat16)
    kvg16 = lax.dot_general(na16, wkv16, _nt,
                            preferred_element_type=jnp.float32
                            ).astype(jnp.bfloat16)
    kidx16 = lax.dot_general(nb16, wkv16[:_C, :], _nt,
                             preferred_element_type=jnp.float32
                             ).astype(jnp.bfloat16)

    q16 = q_ref[...]
    outs = []
    for h in range(_H):
        sl = slice(h * _Dh, (h + 1) * _Dh)
        l = lax.dot_general(q16[:, sl], kvg16[:, sl], _nt,
                            preferred_element_type=jnp.float32) * _SCALE
        m_ = jnp.max(l, axis=1, keepdims=True)
        p = jnp.exp(l - m_)
        a16 = (p / jnp.sum(p, axis=1, keepdims=True)).astype(jnp.bfloat16)
        outs.append(lax.dot_general(
            a16, kvg16[:, _C + h * _Dh: _C + (h + 1) * _Dh], _nn,
            preferred_element_type=jnp.float32))
    qatt16 = jnp.concatenate(outs, axis=1).astype(jnp.bfloat16)

    hdn = lax.dot_general(qatt16, w1_ref[...], _nt,
                          preferred_element_type=jnp.float32) + b1_ref[...]
    hdn16 = (0.5 * hdn * (1.0 + lax.erf(hdn * (2.0 ** -0.5)))
             ).astype(jnp.bfloat16)
    qc = lax.dot_general(hdn16, w2_ref[...], _nt,
                         preferred_element_type=jnp.float32) + b2_ref[...]
    qcb16 = qc.astype(jnp.bfloat16)

    sc = None
    for h in range(_H):
        sl = slice(h * _Dh, (h + 1) * _Dh)
        sh = lax.dot_general(qcb16[:, sl], kidx16[:, sl], _nt,
                             preferred_element_type=jnp.float32)
        sc = sh if sc is None else sc + sh
    sc = sc * (1.0 / _H)
    rmax = jnp.max(sc, axis=1, keepdims=True)
    jj = lax.broadcasted_iota(jnp.int32, (_M, _M), 1)
    cand = jnp.where(sc == rmax, jj, _M)
    cent = jnp.min(cand, axis=1, keepdims=True)
    c = jnp.sum(jnp.where(jj == cent, idxs_ref[...], 0),
                axis=1, keepdims=True)

    xb = x_ref[0]
    mu = jnp.mean(xb, axis=1, keepdims=True)
    xc = xb - mu
    var = jnp.mean(xc * xc, axis=1, keepdims=True)
    nx = xc * lax.rsqrt(var + _EPS) * lnw + lnb
    k_s[...] = lax.dot_general(nx, wkv[:_C, :], _nt,
                               preferred_element_type=jnp.float32
                               ).astype(jnp.bfloat16)
    v_s[...] = lax.dot_general(nx, wkv[_C:, :], _nt,
                               preferred_element_type=jnp.float32
                               ).astype(jnp.bfloat16)

    n_row = lax.broadcasted_iota(jnp.int32, (1, _N), 1)
    a_row = lax.rem(n_row + 6, _PER)
    e = a_row - lax.rem(c, _PER)
    f = jnp.where(e < 0, e + _PER, e)
    d = n_row - c
    valid = (f <= 12) & (jnp.abs(d) <= _RAD)
    valid = valid | ((n_row == 0) & (c <= _RAD))
    valid = valid | ((n_row == _N - 1) & (c >= _N - 1 - _RAD))
    bias = jnp.where(valid, 0.0, _NEG)

    qc16 = (qc * _SCALE).astype(jnp.bfloat16)
    outs = []
    for h in range(_H):
        k_h = k_s[:, h * _Dh:(h + 1) * _Dh]
        v_h = v_s[:, h * _Dh:(h + 1) * _Dh]
        l = lax.dot_general(qc16[:, h * _Dh:(h + 1) * _Dh], k_h,
                            (((1,), (1,)), ((), ())),
                            preferred_element_type=jnp.float32) + bias
        m_ = jnp.max(l, axis=1, keepdims=True)
        p = jnp.exp(l - m_)
        s_ = jnp.sum(p, axis=1, keepdims=True)
        pb = p.astype(jnp.bfloat16)
        outs.append(lax.dot_general(pb, v_h, (((1,), (0,)), ((), ())),
                                    preferred_element_type=jnp.float32) / s_)
    att = jnp.concatenate(outs, axis=1)
    out_ref[0] = lax.dot_general(att, wproj_ref[...], _nt,
                                 preferred_element_type=jnp.float32) + bproj_ref[...]


def kernel(x, q_param, W_kv, W_proj, b_proj, ln_w, ln_b,
           mlp_w1, mlp_b1, mlp_w2, mlp_b2, perm1, idxs):
    Bs, Ns, Cs = x.shape

    chunk_idx = jnp.zeros((_CHUNK,), jnp.int32)
    chunk_idx = chunk_idx.at[0:_M].set(perm1.astype(jnp.int32))
    chunk_idx = chunk_idx.at[_IDX_OFF:_IDX_OFF + _M].set(idxs.astype(jnp.int32))
    flat = (jnp.arange(Bs, dtype=jnp.int32)[:, None] * Ns
            + chunk_idx[None, :]).reshape(-1)
    rows = _sc_gather_rows(x.reshape(Bs * Ns, Cs), flat)

    q2 = q_param.reshape(_M, Cs).astype(jnp.bfloat16)
    w1_16 = mlp_w1.astype(jnp.bfloat16)
    w2_16 = mlp_w2.astype(jnp.bfloat16)
    b1 = mlp_b1.reshape(1, 2 * Cs)
    b2 = mlp_b2.reshape(1, Cs)
    lnw = ln_w.reshape(1, Cs)
    lnb = ln_b.reshape(1, Cs)
    bp = b_proj.reshape(1, Cs)
    idxs_row = idxs.reshape(1, _M).astype(jnp.int32)

    out = pl.pallas_call(
        _fused_body,
        grid=(Bs,),
        in_specs=[
            pl.BlockSpec((_CHUNK, Cs), lambda b: (b, 0)),
            pl.BlockSpec((1, Ns, Cs), lambda b: (b, 0, 0)),
            pl.BlockSpec((_M, Cs), lambda b: (0, 0)),
            pl.BlockSpec((2 * Cs, Cs), lambda b: (0, 0)),
            pl.BlockSpec((2 * Cs, Cs), lambda b: (0, 0)),
            pl.BlockSpec((1, 2 * Cs), lambda b: (0, 0)),
            pl.BlockSpec((Cs, 2 * Cs), lambda b: (0, 0)),
            pl.BlockSpec((1, Cs), lambda b: (0, 0)),
            pl.BlockSpec((1, Cs), lambda b: (0, 0)),
            pl.BlockSpec((1, Cs), lambda b: (0, 0)),
            pl.BlockSpec((1, _M), lambda b: (0, 0)),
            pl.BlockSpec((Cs, Cs), lambda b: (0, 0)),
            pl.BlockSpec((1, Cs), lambda b: (0, 0)),
        ],
        out_specs=pl.BlockSpec((1, _M, Cs), lambda b: (b, 0, 0)),
        out_shape=jax.ShapeDtypeStruct((Bs, _M, Cs), jnp.float32),
        scratch_shapes=[pltpu.VMEM((Ns, Cs), jnp.bfloat16),
                        pltpu.VMEM((Ns, Cs), jnp.bfloat16)],
    )(rows, x, q2, W_kv, w1_16, b1, w2_16, b2, lnw, lnb, idxs_row,
      W_proj, bp)
    return out

# --- scband reference (transcript-rebuilt; emitter-appended) ---
"""Pipeline reference for scband-mem-eff-token-creation-24592982737088 (READ-ONLY COPY).

The authoritative reference and input builder live on the scoring server;
editing this copy changes nothing except your own understanding.
"""

import jax, jax.numpy as jnp
import numpy as np

B, N, C = 8, 3136, 384
H = 8
Dh = C // H
M = 196


def layer_norm(x, w, b, eps=1e-6):
    mu = jnp.mean(x, axis=-1, keepdims=True)
    var = jnp.var(x, axis=-1, keepdims=True)
    return (x - mu) / jnp.sqrt(var + eps) * w + b


def attention(q, k, v, bias=None):
    # q: [B,M,H,D], k,v: [B,N,H,D]  (xformers memory_efficient_attention layout, scaled by 1/sqrt(Dh))
    scale = 1.0 / jnp.sqrt(jnp.asarray(q.shape[-1], dtype=q.dtype))
    logits = jnp.einsum('bmhd,bnhd->bhmn', q, k) * scale
    if bias is not None:
        logits = logits + bias
    a = jax.nn.softmax(logits, axis=-1)
    return jnp.einsum('bhmn,bnhd->bmhd', a, v)


def setup_inputs(seed: int = 0) -> dict:
    key = jax.random.key(seed)
    ks = jax.random.split(key, 10)
    x = jax.random.normal(ks[0], (B, N, C), dtype=jnp.float32)
    q_param = jax.random.normal(ks[1], (1, M, H, Dh), dtype=jnp.float32) * 0.02
    W_kv = jax.random.normal(ks[2], (2 * C, C), dtype=jnp.float32) * 0.02
    W_proj = jax.random.normal(ks[3], (C, C), dtype=jnp.float32) * 0.02
    b_proj = jnp.zeros((C,), dtype=jnp.float32)
    ln_w = jnp.ones((C,), dtype=jnp.float32)
    ln_b = jnp.zeros((C,), dtype=jnp.float32)
    mlp_w1 = jax.random.normal(ks[4], (2 * C, C), dtype=jnp.float32) * 0.02
    mlp_b1 = jnp.zeros((2 * C,), dtype=jnp.float32)
    mlp_w2 = jax.random.normal(ks[5], (C, 2 * C), dtype=jnp.float32) * 0.02
    mlp_b2 = jnp.zeros((C,), dtype=jnp.float32)
    perm1 = jax.random.randint(ks[6], (M,), 0, N, dtype=jnp.int32)
    idxs = jax.random.randint(ks[7], (M,), 0, N, dtype=jnp.int32)
    return {'x': x, 'q_param': q_param, 'W_kv': W_kv, 'W_proj': W_proj, 'b_proj': b_proj,
            'ln_w': ln_w, 'ln_b': ln_b, 'mlp_w1': mlp_w1, 'mlp_b1': mlp_b1,
            'mlp_w2': mlp_w2, 'mlp_b2': mlp_b2, 'perm1': perm1, 'idxs': idxs}


def reference(x, q_param, W_kv, W_proj, b_proj, ln_w, ln_b, mlp_w1, mlp_b1, mlp_w2, mlp_b2, perm1, idxs):
    Bs, Ns, Cs = x.shape
    nx = layer_norm(x, ln_w, ln_b)
    # note: in the torch source, act(x) is computed then overwritten; kv comes from norm1(x)
    kv = (nx @ W_kv.T).reshape(Bs, Ns, 2, H, Dh)
    kv_sub = kv[:, perm1]                       # random 196-token subset (gather)
    k = kv[:, :, 0]
    v = kv[:, :, 1]
    k_sub = kv_sub[:, :, 0]
    v_sub = kv_sub[:, :, 1]
    q = jnp.broadcast_to(q_param, (Bs, M, H, Dh))
    q_cond = attention(q, k_sub, v_sub)         # memory_efficient_attention (scaled)
    q_cond = q_cond.reshape(Bs, M, Cs)
    hdn = jax.nn.gelu(q_cond @ mlp_w1.T + mlp_b1, approximate=False)
    q_cond = hdn @ mlp_w2.T + mlp_b2
    q_cond = q_cond.reshape(Bs, M, H, Dh)
    # unscaled attention scores for centroid selection (plain matmul in torch source)
    k_idx = k[:, idxs]                          # [B,196,H,Dh] gather
    attn = jnp.einsum('bmhd,bnhd->bhmn', q_cond, k_idx)
    centroids = jnp.argmax(attn.mean(axis=1), axis=-1)  # [B,196]
    offsets = jnp.array([col - 56 * row for row in range(-6, 7) for col in range(-6, 7)], dtype=jnp.int32)
    centroids_indices = idxs[centroids]
    adjusted = jnp.clip(centroids_indices[:, :, None] + offsets[None, None, :], 0, Ns - 1)
    mask = jnp.full((Bs, M, Ns), -jnp.inf, dtype=jnp.float32)
    bi = jnp.arange(Bs)[:, None, None]
    ri = jnp.arange(M)[None, :, None]
    mask = mask.at[bi, ri, adjusted].set(0.0)   # scatter-overwrite
    bias = mask[:, None, :, :]                  # broadcast over heads
    out = attention(q_cond, k, v, bias=bias)
    out = out.reshape(Bs, M, Cs)
    return out @ W_proj.T + b_proj

if __name__ == "__main__":
    import jax
    _d = setup_inputs()
    print(jax.jit(kernel)(*tuple(_d.values())))

</pallas_src>

<mosaic_0001>
#map = affine_map<(d0, d1) -> (0, 0)>
#map1 = affine_map<(d0, d1) -> (0)>
module attributes {stable_mosaic.version = 14 : i64} {
  func.func @gather_kernel(%arg0: i32, %arg1: i32, %arg2: memref<25088x384xf32, #tpu.memory_space<hbm>>, %arg3: memref<3328xi32, #tpu.memory_space<hbm>>, %arg4: memref<3328x384xf32, #tpu.memory_space<hbm>>, %arg5: memref<104xi32, #tpu.memory_space<vmem>>, %arg6: memref<104x384xf32, #tpu.memory_space<vmem>>, %arg7: memref<!tpu.dma_semaphore, #tpu.memory_space<semaphore_mem>>) attributes {dimension_semantics = [#tpu.dimension_semantics<core_parallel>, #tpu.dimension_semantics<subcore_parallel>], iteration_bounds = array<i64: 2, 16>, scalar_prefetch = 0 : i64, scratch_operands = 3 : i64, tpu.core_type = #tpu.core_type<sc_vector_subcore>, window_params = [{transform_indices = #map}, {transform_indices = #map1}, {transform_indices = #map}]} {
    %mul3A = arith.constant 2 : i32
    %mul3A_0 = arith.muli %arg1, %mul3A : i32
    %add3A = arith.addi %mul3A_0, %arg0 : i32
    %mul3A_1 = arith.constant 104 : i32
    %mul3A_2 = arith.muli %add3A, %mul3A_1 : i32
    "tpu.region"() ({
      %run_scoped3A = tpu.sem_alloc : memref<!tpu.dma_semaphore, #tpu.memory_space<semaphore_mem>>
      %dma_start3A_7 = tpu.memref_slice %arg3[%mul3A_2] : memref<3328xi32, #tpu.memory_space<hbm>> -> memref<104xi32, #tpu.memory_space<hbm>>
      %dma_start3A_8 = tpu.memref_slice %arg3[%mul3A_2] : memref<3328xi32, #tpu.memory_space<hbm>> -> memref<104xi32, #tpu.memory_space<hbm>>
      tpu.enqueue_dma source(%dma_start3A_8 : memref<104xi32, #tpu.memory_space<hbm>>) target(%arg5 : memref<104xi32, #tpu.memory_space<vmem>>) target_semaphore(%run_scoped3A : memref<!tpu.dma_semaphore, #tpu.memory_space<semaphore_mem>>)
      %dma_wait3A_9 = tpu.memref_slice %arg3[%mul3A_2] : memref<3328xi32, #tpu.memory_space<hbm>> -> memref<104xi32, #tpu.memory_space<hbm>>
      %dma_wait3A_10 = tpu.memref_slice %arg3[%mul3A_2] : memref<3328xi32, #tpu.memory_space<hbm>> -> memref<104xi32, #tpu.memory_space<hbm>>
      tpu.wait_dma2 semaphore(%run_scoped3A : memref<!tpu.dma_semaphore, #tpu.memory_space<semaphore_mem>>) src(%dma_wait3A_10 : memref<104xi32, #tpu.memory_space<hbm>>) dst(%arg5 : memref<104xi32, #tpu.memory_space<vmem>>)
      tpu.yield
    }) : () -> ()
    %dma_start3A = arith.constant 0 : i32
    %dma_start3A_3 = arith.constant 0 : i32
    %dma_start3A_4 = tpu.memref_slice %arg2[%dma_start3A, %dma_start3A_3] : memref<25088x384xf32, #tpu.memory_space<hbm>> -> memref<25088x384xf32, #tpu.memory_space<hbm>>
    tpu.enqueue_indirect_dma source(%dma_start3A_4 : memref<25088x384xf32, #tpu.memory_space<hbm>>) target(%arg6 : memref<104x384xf32, #tpu.memory_space<vmem>>) offsets(%arg5 : memref<104xi32, #tpu.memory_space<vmem>>) semaphore(%arg7 : memref<!tpu.dma_semaphore, #tpu.memory_space<semaphore_mem>>)
    %dma_wait3A = arith.constant 0 : i32
    %dma_wait3A_5 = arith.constant 0 : i32
    %dma_wait3A_6 = tpu.memref_slice %arg2[%dma_wait3A, %dma_wait3A_5] : memref<25088x384xf32, #tpu.memory_space<hbm>> -> memref<25088x384xf32, #tpu.memory_space<hbm>>
    tpu.wait_indirect_dma semaphore(%arg7 : memref<!tpu.dma_semaphore, #tpu.memory_space<semaphore_mem>>) src(%dma_wait3A_6 : memref<25088x384xf32, #tpu.memory_space<hbm>>) dst(%arg6 : memref<104x384xf32, #tpu.memory_space<vmem>>)
    "tpu.region"() ({
      %run_scoped3A = tpu.sem_alloc : memref<!tpu.dma_semaphore, #tpu.memory_space<semaphore_mem>>
      %dma_start3A_7 = arith.constant 0 : i32
      %dma_start3A_8 = tpu.memref_slice %arg4[%mul3A_2, %dma_start3A_7] : memref<3328x384xf32, #tpu.memory_space<hbm>> -> memref<104x384xf32, #tpu.memory_space<hbm>>
      %dma_start3A_9 = arith.constant 0 : i32
      %dma_start3A_10 = tpu.memref_slice %arg4[%mul3A_2, %dma_start3A_9] : memref<3328x384xf32, #tpu.memory_space<hbm>> -> memref<104x384xf32, #tpu.memory_space<hbm>>
      tpu.enqueue_dma source(%arg6 : memref<104x384xf32, #tpu.memory_space<vmem>>) target(%dma_start3A_10 : memref<104x384xf32, #tpu.memory_space<hbm>>) target_semaphore(%run_scoped3A : memref<!tpu.dma_semaphore, #tpu.memory_space<semaphore_mem>>)
      %dma_wait3A_11 = arith.constant 0 : i32
      %dma_wait3A_12 = tpu.memref_slice %arg4[%mul3A_2, %dma_wait3A_11] : memref<3328x384xf32, #tpu.memory_space<hbm>> -> memref<104x384xf32, #tpu.memory_space<hbm>>
      %dma_wait3A_13 = arith.constant 0 : i32
      %dma_wait3A_14 = tpu.memref_slice %arg4[%mul3A_2, %dma_wait3A_13] : memref<3328x384xf32, #tpu.memory_space<hbm>> -> memref<104x384xf32, #tpu.memory_space<hbm>>
      tpu.wait_dma2 semaphore(%run_scoped3A : memref<!tpu.dma_semaphore, #tpu.memory_space<semaphore_mem>>) src(%arg6 : memref<104x384xf32, #tpu.memory_space<vmem>>) dst(%dma_wait3A_14 : memref<104x384xf32, #tpu.memory_space<hbm>>)
      tpu.yield
    }) : () -> ()
    return
  }
}

module attributes {stable_mosaic.version = 14 : i64} {
  func.func @_fused_body(%arg0: i32, %arg1: memref<416x384xf32, #tpu.memory_space<vmem>>, %arg2: memref<1x3136x384xf32, #tpu.memory_space<vmem>>, %arg3: memref<196x384xbf16, #tpu.memory_space<vmem>>, %arg4: memref<768x384xf32, #tpu.memory_space<vmem>>, %arg5: memref<768x384xbf16, #tpu.memory_space<vmem>>, %arg6: memref<1x768xf32, #tpu.memory_space<vmem>>, %arg7: memref<384x768xbf16, #tpu.memory_space<vmem>>, %arg8: memref<1x384xf32, #tpu.memory_space<vmem>>, %arg9: memref<1x384xf32, #tpu.memory_space<vmem>>, %arg10: memref<1x384xf32, #tpu.memory_space<vmem>>, %arg11: memref<1x196xi32, #tpu.memory_space<vmem>>, %arg12: memref<384x384xf32, #tpu.memory_space<vmem>>, %arg13: memref<1x384xf32, #tpu.memory_space<vmem>>, %arg14: memref<1x196x384xf32, #tpu.memory_space<vmem>>, %arg15: memref<3136x384xbf16, #tpu.memory_space<vmem>>, %arg16: memref<3136x384xbf16, #tpu.memory_space<vmem>>) attributes {dimension_semantics = [#tpu.dimension_semantics<arbitrary>], iteration_bounds = array<i64: 8>, scalar_prefetch = 0 : i64, scratch_operands = 2 : i64, tpu.core_type = #tpu.core_type<tc>, window_params = [{transform_indices = @transform_0, window_bounds = array<i64: 416, 384>}, {transform_indices = @transform_1, window_bounds = array<i64: 1, 3136, 384>}, {pipeline_mode = #tpu.pipeline_mode<synchronous>, transform_indices = @transform_2, window_bounds = array<i64: 196, 384>}, {pipeline_mode = #tpu.pipeline_mode<synchronous>, transform_indices = @transform_3, window_bounds = array<i64: 768, 384>}, {pipeline_mode = #tpu.pipeline_mode<synchronous>, transform_indices = @transform_4, window_bounds = array<i64: 768, 384>}, {pipeline_mode = #tpu.pipeline_mode<synchronous>, transform_indices = @transform_5, window_bounds = array<i64: 1, 768>}, {pipeline_mode = #tpu.pipeline_mode<synchronous>, transform_indices = @transform_6, window_bounds = array<i64: 384, 768>}, {pipeline_mode = #tpu.pipeline_mode<synchronous>, transform_indices = @transform_7, window_bounds = array<i64: 1, 384>}, {pipeline_mode = #tpu.pipeline_mode<synchronous>, transform_indices = @transform_8, window_bounds = array<i64: 1, 384>}, {pipeline_mode = #tpu.pipeline_mode<synchronous>, transform_indices = @transform_9, window_bounds = array<i64: 1, 384>}, {pipeline_mode = #tpu.pipeline_mode<synchronous>, transform_indices = @transform_10, window_bounds = array<i64: 1, 196>}, {pipeline_mode = #tpu.pipeline_mode<synchronous>, transform_indices = @transform_11, window_bounds = array<i64: 384, 384>}, {pipeline_mode = #tpu.pipeline_mode<synchronous>, transform_indices = @transform_12, window_bounds = array<i64: 1, 384>}, {transform_indices = @transform_13, window_bounds = array<i64: 1, 196, 384>}]} {
    %get3A = arith.constant 0 : index
    %get3A_0 = arith.constant 0 : index
    %get3A_1 = vector.load %arg9[%get3A, %get3A_0] : memref<1x384xf32, #tpu.memory_space<vmem>>, vector<1x384xf32>
    %get3A_2 = arith.constant 0 : index
    %get3A_3 = arith.constant 0 : index
    %get3A_4 = vector.load %arg10[%get3A_2, %get3A_3] : memref<1x384xf32, #tpu.memory_space<vmem>>, vector<1x384xf32>
    %get3A_5 = arith.constant 0 : index
    %get3A_6 = arith.constant 0 : index
    %get3A_7 = vector.load %arg4[%get3A_5, %get3A_6] : memref<768x384xf32, #tpu.memory_space<vmem>>, vector<768x384xf32>
    %convert_element_type3A = arith.truncf %get3A_7 : vector<768x384xf32> to vector<768x384xbf16>
    %get3A_8 = arith.constant 0 : index
    %get3A_9 = arith.constant 0 : index
    %get3A_10 = vector.load %arg1[%get3A_8, %get3A_9] : memref<416x384xf32, #tpu.memory_space<vmem>>, vector<196x384xf32>
    %reduce_sum3A = arith.constant dense<0.000000e+00> : vector<196xf32>
    %reduce_sum3A_11 = vector.multi_reduction <add>, %get3A_10, %reduce_sum3A [1] : vector<196x384xf32> to vector<196xf32>
    %broadcast_in_dim3A = vector.shape_cast %reduce_sum3A_11 : vector<196xf32> to vector<196x1xf32>
    %div3A = arith.constant 3.840000e+02 : f32
    %div3A_12 = vector.broadcast %div3A : f32 to vector<196x1xf32>
    %div3A_13 = arith.divf %broadcast_in_dim3A, %div3A_12 : vector<196x1xf32>
    %sub3A = vector.broadcast %div3A_13 : vector<196x1xf32> to vector<196x384xf32>
    %sub3A_14 = arith.subf %get3A_10, %sub3A : vector<196x384xf32>
    %mul3A = arith.mulf %sub3A_14, %sub3A_14 : vector<196x384xf32>
    %reduce_sum3A_15 = arith.constant dense<0.000000e+00> : vector<196xf32>
    %reduce_sum3A_16 = vector.multi_reduction <add>, %mul3A, %reduce_sum3A_15 [1] : vector<196x384xf32> to vector<196xf32>
    %broadcast_in_dim3A_17 = vector.shape_cast %reduce_sum3A_16 : vector<196xf32> to vector<196x1xf32>
    %div3A_18 = arith.constant 3.840000e+02 : f32
    %div3A_19 = vector.broadcast %div3A_18 : f32 to vector<196x1xf32>
    %div3A_20 = arith.divf %broadcast_in_dim3A_17, %div3A_19 : vector<196x1xf32>
    %add3A = arith.constant 9.99999997E-7 : f32
    %add3A_21 = vector.broadcast %add3A : f32 to vector<196x1xf32>
    %add3A_22 = arith.addf %div3A_20, %add3A_21 : vector<196x1xf32>
    %rsqrt3A = math.rsqrt %add3A_22 : vector<196x1xf32>
    %mul3A_23 = vector.broadcast %rsqrt3A : vector<196x1xf32> to vector<196x384xf32>
    %mul3A_24 = arith.mulf %sub3A_14, %mul3A_23 : vector<196x384xf32>
    %mul3A_25 = vector.broadcast %get3A_1 : vector<1x384xf32> to vector<196x384xf32>
    %mul3A_26 = arith.mulf %mul3A_24, %mul3A_25 : vector<196x384xf32>
    %add3A_27 = vector.broadcast %get3A_4 : vector<1x384xf32> to vector<196x384xf32>
    %add3A_28 = arith.addf %mul3A_26, %add3A_27 : vector<196x384xf32>
    %convert_element_type3A_29 = arith.truncf %add3A_28 : vector<196x384xf32> to vector<196x384xbf16>
    %get3A_30 = arith.constant 200 : index
    %get3A_31 = arith.constant 0 : index
    %get3A_32 = vector.load %arg1[%get3A_30, %get3A_31] : memref<416x384xf32, #tpu.memory_space<vmem>>, vector<196x384xf32>
    %reduce_sum3A_33 = arith.constant dense<0.000000e+00> : vector<196xf32>
    %reduce_sum3A_34 = vector.multi_reduction <add>, %get3A_32, %reduce_sum3A_33 [1] : vector<196x384xf32> to vector<196xf32>
    %broadcast_in_dim3A_35 = vector.shape_cast %reduce_sum3A_34 : vector<196xf32> to vector<196x1xf32>
    %div3A_36 = arith.constant 3.840000e+02 : f32
    %div3A_37 = vector.broadcast %div3A_36 : f32 to vector<196x1xf32>
    %div3A_38 = arith.divf %broadcast_in_dim3A_35, %div3A_37 : vector<196x1xf32>
    %sub3A_39 = vector.broadcast %div3A_38 : vector<196x1xf32> to vector<196x384xf32>
    %sub3A_40 = arith.subf %get3A_32, %sub3A_39 : vector<196x384xf32>
    %mul3A_41 = arith.mulf %sub3A_40, %sub3A_40 : vector<196x384xf32>
    %reduce_sum3A_42 = arith.constant dense<0.000000e+00> : vector<196xf32>
    %reduce_sum3A_43 = vector.multi_reduction <add>, %mul3A_41, %reduce_sum3A_42 [1] : vector<196x384xf32> to vector<196xf32>
    %broadcast_in_dim3A_44 = vector.shape_cast %reduce_sum3A_43 : vector<196xf32> to vector<196x1xf32>
    %div3A_45 = arith.constant 3.840000e+02 : f32
    %div3A_46 = vector.broadcast %div3A_45 : f32 to vector<196x1xf32>
    %div3A_47 = arith.divf %broadcast_in_dim3A_44, %div3A_46 : vector<196x1xf32>
    %add3A_48 = arith.constant 9.99999997E-7 : f32
    %add3A_49 = vector.broadcast %add3A_48 : f32 to vector<196x1xf32>
    %add3A_50 = arith.addf %div3A_47, %add3A_49 : vector<196x1xf32>
    %rsqrt3A_51 = math.rsqrt %add3A_50 : vector<196x1xf32>
    %mul3A_52 = vector.broadcast %rsqrt3A_51 : vector<196x1xf32> to vector<196x384xf32>
    %mul3A_53 = arith.mulf %sub3A_40, %mul3A_52 : vector<196x384xf32>
    %mul3A_54 = vector.broadcast %get3A_1 : vector<1x384xf32> to vector<196x384xf32>
    %mul3A_55 = arith.mulf %mul3A_53, %mul3A_54 : vector<196x384xf32>
    %add3A_56 = vector.broadcast %get3A_4 : vector<1x384xf32> to vector<196x384xf32>
    %add3A_57 = arith.addf %mul3A_55, %add3A_56 : vector<196x384xf32>
    %convert_element_type3A_58 = arith.truncf %add3A_57 : vector<196x384xf32> to vector<196x384xbf16>
    %dot_general3A = arith.constant dense<0.000000e+00> : vector<196x768xf32>
    %dot_general3A_59 = tpu.matmul %convert_element_type3A_29, %convert_element_type3A, %dot_general3A {dimension_numbers = #tpu.dot_dimension_numbers<[1], [1], [0], [0], [0, 0, 1, 0], [], []>, transpose_lhs_hint = false} : vector<196x384xbf16>, vector<768x384xbf16>, vector<196x768xf32> -> vector<196x768xf32>
    %convert_element_type3A_60 = arith.truncf %dot_general3A_59 : vector<196x768xf32> to vector<196x768xbf16>
    %slice3A = vector.extract_strided_slice %convert_element_type3A {offsets = [0, 0], sizes = [384, 384], strides = [1, 1]} : vector<768x384xbf16> to vector<384x384xbf16>
    %dot_general3A_61 = arith.constant dense<0.000000e+00> : vector<196x384xf32>
    %dot_general3A_62 = tpu.matmul %convert_element_type3A_58, %slice3A, %dot_general3A_61 {dimension_numbers = #tpu.dot_dimension_numbers<[1], [1], [0], [0], [0, 0, 1, 0], [], []>, transpose_lhs_hint = false} : vector<196x384xbf16>, vector<384x384xbf16>, vector<196x384xf32> -> vector<196x384xf32>
    %convert_element_type3A_63 = arith.truncf %dot_general3A_62 : vector<196x384xf32> to vector<196x384xbf16>
    %get3A_64 = arith.constant 0 : index
    %get3A_65 = arith.constant 0 : index
    %get3A_66 = vector.load %arg3[%get3A_64, %get3A_65] : memref<196x384xbf16, #tpu.memory_space<vmem>>, vector<196x384xbf16>
    %slice3A_67 = vector.extract_strided_slice %get3A_66 {offsets = [0, 0], sizes = [196, 48], strides = [1, 1]} : vector<196x384xbf16> to vector<196x48xbf16>
    %slice3A_68 = vector.extract_strided_slice %convert_element_type3A_60 {offsets = [0, 0], sizes = [196, 48], strides = [1, 1]} : vector<196x768xbf16> to vector<196x48xbf16>
    %dot_general3A_69 = arith.constant dense<0.000000e+00> : vector<196x196xf32>
    %dot_general3A_70 = tpu.matmul %slice3A_67, %slice3A_68, %dot_general3A_69 {dimension_numbers = #tpu.dot_dimension_numbers<[1], [1], [0], [0], [0, 0, 1, 0], [], []>, transpose_lhs_hint = false} : vector<196x48xbf16>, vector<196x48xbf16>, vector<196x196xf32> -> vector<196x196xf32>
    %mul3A_71 = arith.constant 0.144337565 : f32
    %mul3A_72 = vector.broadcast %mul3A_71 : f32 to vector<196x196xf32>
    %mul3A_73 = arith.mulf %dot_general3A_70, %mul3A_72 : vector<196x196xf32>
    %reduce_max3A = arith.constant dense<0xFF800000> : vector<196xf32>
    %reduce_max3A_74 = vector.multi_reduction <maximumf>, %mul3A_73, %reduce_max3A [1] : vector<196x196xf32> to vector<196xf32>
    %broadcast_in_dim3A_75 = vector.shape_cast %reduce_max3A_74 : vector<196xf32> to vector<196x1xf32>
    %sub3A_76 = vector.broadcast %broadcast_in_dim3A_75 : vector<196x1xf32> to vector<196x196xf32>
    %sub3A_77 = arith.subf %mul3A_73, %sub3A_76 : vector<196x196xf32>
    %exp3A = math.exp %sub3A_77 : vector<196x196xf32>
    %reduce_sum3A_78 = arith.constant dense<0.000000e+00> : vector<196xf32>
    %reduce_sum3A_79 = vector.multi_reduction <add>, %exp3A, %reduce_sum3A_78 [1] : vector<196x196xf32> to vector<196xf32>
    %broadcast_in_dim3A_80 = vector.shape_cast %reduce_sum3A_79 : vector<196xf32> to vector<196x1xf32>
    %div3A_81 = vector.broadcast %broadcast_in_dim3A_80 : vector<196x1xf32> to vector<196x196xf32>
    %div3A_82 = arith.divf %exp3A, %div3A_81 : vector<196x196xf32>
    %convert_element_type3A_83 = arith.truncf %div3A_82 : vector<196x196xf32> to vector<196x196xbf16>
    %slice3A_84 = vector.extract_strided_slice %convert_element_type3A_60 {offsets = [0, 384], sizes = [196, 48], strides = [1, 1]} : vector<196x768xbf16> to vector<196x48xbf16>
    %dot_general3A_85 = arith.constant dense<0.000000e+00> : vector<196x48xf32>
    %dot_general3A_86 = tpu.matmul %convert_element_type3A_83, %slice3A_84, %dot_general3A_85 {dimension_numbers = #tpu.dot_dimension_numbers<[1], [0], [0], [1], [0, 0, 1, 1], [], []>, transpose_lhs_hint = false} : vector<196x196xbf16>, vector<196x48xbf16>, vector<196x48xf32> -> vector<196x48xf32>
    %slice3A_87 = vector.extract_strided_slice %get3A_66 {offsets = [0, 48], sizes = [196, 48], strides = [1, 1]} : vector<196x384xbf16> to vector<196x48xbf16>
    %slice3A_88 = vector.extract_strided_slice %convert_element_type3A_60 {offsets = [0, 48], sizes = [196, 48], strides = [1, 1]} : vector<196x768xbf16> to vector<196x48xbf16>
    %dot_general3A_89 = arith.constant dense<0.000000e+00> : vector<196x196xf32>
    %dot_general3A_90 = tpu.matmul %slice3A_87, %slice3A_88, %dot_general3A_89 {dimension_numbers = #tpu.dot_dimension_numbers<[1], [1], [0], [0], [0, 0, 1, 0], [], []>, transpose_lhs_hint = false} : vector<196x48xbf16>, vector<196x48xbf16>, vector<196x196xf32> -> vector<196x196xf32>
    %mul3A_91 = arith.constant 0.144337565 : f32
    %mul3A_92 = vector.broadcast %mul3A_91 : f32 to vector<196x196xf32>
    %mul3A_93 = arith.mulf %dot_general3A_90, %mul3A_92 : vector<196x196xf32>
    %reduce_max3A_94 = arith.constant dense<0xFF800000> : vector<196xf32>
    %reduce_max3A_95 = vector.multi_reduction <maximumf>, %mul3A_93, %reduce_max3A_94 [1] : vector<196x196xf32> to vector<196xf32>
    %broadcast_in_dim3A_96 = vector.shape_cast %reduce_max3A_95 : vector<196xf32> to vector<196x1xf32>
    %sub3A_97 = vector.broadcast %broadcast_in_dim3A_96 : vector<196x1xf32> to vector<196x196xf32>
    %sub3A_98 = arith.subf %mul3A_93, %sub3A_97 : vector<196x196xf32>
    %exp3A_99 = math.exp %sub3A_98 : vector<196x196xf32>
    %reduce_sum3A_100 = arith.constant dense<0.000000e+00> : vector<196xf32>
    %reduce_sum3A_101 = vector.multi_reduction <add>, %exp3A_99, %reduce_sum3A_100 [1] : vector<196x196xf32> to vector<196xf32>
    %broadcast_in_dim3A_102 = vector.shape_cast %reduce_sum3A_101 : vector<196xf32> to vector<196x1xf32>
    %div3A_103 = vector.broadcast %broadcast_in_dim3A_102 : vector<196x1xf32> to vector<196x196xf32>
    %div3A_104 = arith.divf %exp3A_99, %div3A_103 : vector<196x196xf32>
    %convert_element_type3A_105 = arith.truncf %div3A_104 : vector<196x196xf32> to vector<196x196xbf16>
    %slice3A_106 = vector.extract_strided_slice %convert_element_type3A_60 {offsets = [0, 432], sizes = [196, 48], strides = [1, 1]} : vector<196x768xbf16> to vector<196x48xbf16>
    %dot_general3A_107 = arith.constant dense<0.000000e+00> : vector<196x48xf32>
    %dot_general3A_108 = tpu.matmul %convert_element_type3A_105, %slice3A_106, %dot_general3A_107 {dimension_numbers = #tpu.dot_dimension_numbers<[1], [0], [0], [1], [0, 0, 1, 1], [], []>, transpose_lhs_hint = false} : vector<196x196xbf16>, vector<196x48xbf16>, vector<196x48xf32> -> vector<196x48xf32>
    %slice3A_109 = vector.extract_strided_slice %get3A_66 {offsets = [0, 96], sizes = [196, 48], strides = [1, 1]} : vector<196x384xbf16> to vector<196x48xbf16>
    %slice3A_110 = vector.extract_strided_slice %convert_element_type3A_60 {offsets = [0, 96], sizes = [196, 48], strides = [1, 1]} : vector<196x768xbf16> to vector<196x48xbf16>
    %dot_general3A_111 = arith.constant dense<0.000000e+00> : vector<196x196xf32>
    %dot_general3A_112 = tpu.matmul %slice3A_109, %slice3A_110, %dot_general3A_111 {dimension_numbers = #tpu.dot_dimension_numbers<[1], [1], [0], [0], [0, 0, 1, 0], [], []>, transpose_lhs_hint = false} : vector<196x48xbf16>, vector<196x48xbf16>, vector<196x196xf32> -> vector<196x196xf32>
    %mul3A_113 = arith.constant 0.144337565 : f32
    %mul3A_114 = vector.broadcast %mul3A_113 : f32 to vector<196x196xf32>
    %mul3A_115 = arith.mulf %dot_general3A_112, %mul3A_114 : vector<196x196xf32>
    %reduce_max3A_116 = arith.constant dense<0xFF800000> : vector<196xf32>
    %reduce_max3A_117 = vector.multi_reduction <maximumf>, %mul3A_115, %reduce_max3A_116 [1] : vector<196x196xf32> to vector<196xf32>
    %broadcast_in_dim3A_118 = vector.shape_cast %reduce_max3A_117 : vector<196xf32> to vector<196x1xf32>
    %sub3A_119 = vector.broadcast %broadcast_in_dim3A_118 : vector<196x1xf32> to vector<196x196xf32>
    %sub3A_120 = arith.subf %mul3A_115, %sub3A_119 : vector<196x196xf32>
    %exp3A_121 = math.exp %sub3A_120 : vector<196x196xf32>
    %reduce_sum3A_122 = arith.constant dense<0.000000e+00> : vector<196xf32>
    %reduce_sum3A_123 = vector.multi_reduction <add>, %exp3A_121, %reduce_sum3A_122 [1] : vector<196x196xf32> to vector<196xf32>
    %broadcast_in_dim3A_124 = vector.shape_cast %reduce_sum3A_123 : vector<196xf32> to vector<196x1xf32>
    %div3A_125 = vector.broadcast %broadcast_in_dim3A_124 : vector<196x1xf32> to vector<196x196xf32>
    %div3A_126 = arith.divf %exp3A_121, %div3A_125 : vector<196x196xf32>
    %convert_element_type3A_127 = arith.truncf %div3A_126 : vector<196x196xf32> to vector<196x196xbf16>
    %slice3A_128 = vector.extract_strided_slice %convert_element_type3A_60 {offsets = [0, 480], sizes = [196, 48], strides = [1, 1]} : vector<196x768xbf16> to vector<196x48xbf16>
    %dot_general3A_129 = arith.constant dense<0.000000e+00> : vector<196x48xf32>
    %dot_general3A_130 = tpu.matmul %convert_element_type3A_127, %slice3A_128, %dot_general3A_129 {dimension_numbers = #tpu.dot_dimension_numbers<[1], [0], [0], [1], [0, 0, 1, 1], [], []>, transpose_lhs_hint = false} : vector<196x196xbf16>, vector<196x48xbf16>, vector<196x48xf32> -> vector<196x48xf32>
    %slice3A_131 = vector.extract_strided_slice %get3A_66 {offsets = [0, 144], sizes = [196, 48], strides = [1, 1]} : vector<196x384xbf16> to vector<196x48xbf16>
    %slice3A_132 = vector.extract_strided_slice %convert_element_type3A_60 {offsets = [0, 144], sizes = [196, 48], strides = [1, 1]} : vector<196x768xbf16> to vector<196x48xbf16>
    %dot_general3A_133 = arith.constant dense<0.000000e+00> : vector<196x196xf32>
    %dot_general3A_134 = tpu.matmul %slice3A_131, %slice3A_132, %dot_general3A_133 {dimension_numbers = #tpu.dot_dimension_numbers<[1], [1], [0], [0], [0, 0, 1, 0], [], []>, transpose_lhs_hint = false} : vector<196x48xbf16>, vector<196x48xbf16>, vector<196x196xf32> -> vector<196x196xf32>
    %mul3A_135 = arith.constant 0.144337565 : f32
    %mul3A_136 = vector.broadcast %mul3A_135 : f32 to vector<196x196xf32>
    %mul3A_137 = arith.mulf %dot_general3A_134, %mul3A_136 : vector<196x196xf32>
    %reduce_max3A_138 = arith.constant dense<0xFF800000> : vector<196xf32>
    %reduce_max3A_139 = vector.multi_reduction <maximumf>, %mul3A_137, %reduce_max3A_138 [1] : vector<196x196xf32> to vector<196xf32>
    %broadcast_in_dim3A_140 = vector.shape_cast %reduce_max3A_139 : vector<196xf32> to vector<196x1xf32>
    %sub3A_141 = vector.broadcast %broadcast_in_dim3A_140 : vector<196x1xf32> to vector<196x196xf32>
    %sub3A_142 = arith.subf %mul3A_137, %sub3A_141 : vector<196x196xf32>
    %exp3A_143 = math.exp %sub3A_142 : vector<196x196xf32>
    %reduce_sum3A_144 = arith.constant dense<0.000000e+00> : vector<196xf32>
    %reduce_sum3A_145 = vector.multi_reduction <add>, %exp3A_143, %reduce_sum3A_144 [1] : vector<196x196xf32> to vector<196xf32>
    %broadcast_in_dim3A_146 = vector.shape_cast %reduce_sum3A_145 : vector<196xf32> to vector<196x1xf32>
    %div3A_147 = vector.broadcast %broadcast_in_dim3A_146 : vector<196x1xf32> to vector<196x196xf32>
    %div3A_148 = arith.divf %exp3A_143, %div3A_147 : vector<196x196xf32>
    %convert_element_type3A_149 = arith.truncf %div3A_148 : vector<196x196xf32> to vector<196x196xbf16>
    %slice3A_150 = vector.extract_strided_slice %convert_element_type3A_60 {offsets = [0, 528], sizes = [196, 48], strides = [1, 1]} : vector<196x768xbf16> to vector<196x48xbf16>
    %dot_general3A_151 = arith.constant dense<0.000000e+00> : vector<196x48xf32>
    %dot_general3A_152 = tpu.matmul %convert_element_type3A_149, %slice3A_150, %dot_general3A_151 {dimension_numbers = #tpu.dot_dimension_numbers<[1], [0], [0], [1], [0, 0, 1, 1], [], []>, transpose_lhs_hint = false} : vector<196x196xbf16>, vector<196x48xbf16>, vector<196x48xf32> -> vector<196x48xf32>
    %slice3A_153 = vector.extract_strided_slice %get3A_66 {offsets = [0, 192], sizes = [196, 48], strides = [1, 1]} : vector<196x384xbf16> to vector<196x48xbf16>
    %slice3A_154 = vector.extract_strided_slice %convert_element_type3A_60 {offsets = [0, 192], sizes = [196, 48], strides = [1, 1]} : vector<196x768xbf16> to vector<196x48xbf16>
    %dot_general3A_155 = arith.constant dense<0.000000e+00> : vector<196x196xf32>
    %dot_general3A_156 = tpu.matmul %slice3A_153, %slice3A_154, %dot_general3A_155 {dimension_numbers = #tpu.dot_dimension_numbers<[1], [1], [0], [0], [0, 0, 1, 0], [], []>, transpose_lhs_hint = false} : vector<196x48xbf16>, vector<196x48xbf16>, vector<196x196xf32> -> vector<196x196xf32>
    %mul3A_157 = arith.constant 0.144337565 : f32
    %mul3A_158 = vector.broadcast %mul3A_157 : f32 to vector<196x196xf32>
    %mul3A_159 = arith.mulf %dot_general3A_156, %mul3A_158 : vector<196x196xf32>
    %reduce_max3A_160 = arith.constant dense<0xFF800000> : vector<196xf32>
    %reduce_max3A_161 = vector.multi_reduction <maximumf>, %mul3A_159, %reduce_max3A_160 [1] : vector<196x196xf32> to vector<196xf32>
    %broadcast_in_dim3A_162 = vector.shape_cast %reduce_max3A_161 : vector<196xf32> to vector<196x1xf32>
    %sub3A_163 = vector.broadcast %broadcast_in_dim3A_162 : vector<196x1xf32> to vector<196x196xf32>
    %sub3A_164 = arith.subf %mul3A_159, %sub3A_163 : vector<196x196xf32>
    %exp3A_165 = math.exp %sub3A_164 : vector<196x196xf32>
    %reduce_sum3A_166 = arith.constant dense<0.000000e+00> : vector<196xf32>
    %reduce_sum3A_167 = vector.multi_reduction <add>, %exp3A_165, %reduce_sum3A_166 [1] : vector<196x196xf32> to vector<196xf32>
    %broadcast_in_dim3A_168 = vector.shape_cast %reduce_sum3A_167 : vector<196xf32> to vector<196x1xf32>
    %div3A_169 = vector.broadcast %broadcast_in_dim3A_168 : vector<196x1xf32> to vector<196x196xf32>
    %div3A_170 = arith.divf %exp3A_165, %div3A_169 : vector<196x196xf32>
    %convert_element_type3A_171 = arith.truncf %div3A_170 : vector<196x196xf32> to vector<196x196xbf16>
    %slice3A_172 = vector.extract_strided_slice %convert_element_type3A_60 {offsets = [0, 576], sizes = [196, 48], strides = [1, 1]} : vector<196x768xbf16> to vector<196x48xbf16>
    %dot_general3A_173 = arith.constant dense<0.000000e+00> : vector<196x48xf32>
    %dot_general3A_174 = tpu.matmul %convert_element_type3A_171, %slice3A_172, %dot_general3A_173 {dimension_numbers = #tpu.dot_dimension_numbers<[1], [0], [0], [1], [0, 0, 1, 1], [], []>, transpose_lhs_hint = false} : vector<196x196xbf16>, vector<196x48xbf16>, vector<196x48xf32> -> vector<196x48xf32>
    %slice3A_175 = vector.extract_strided_slice %get3A_66 {offsets = [0, 240], sizes = [196, 48], strides = [1, 1]} : vector<196x384xbf16> to vector<196x48xbf16>
    %slice3A_176 = vector.extract_strided_slice %convert_element_type3A_60 {offsets = [0, 240], sizes = [196, 48], strides = [1, 1]} : vector<196x768xbf16> to vector<196x48xbf16>
    %dot_general3A_177 = arith.constant dense<0.000000e+00> : vector<196x196xf32>
    %dot_general3A_178 = tpu.matmul %slice3A_175, %slice3A_176, %dot_general3A_177 {dimension_numbers = #tpu.dot_dimension_numbers<[1], [1], [0], [0], [0, 0, 1, 0], [], []>, transpose_lhs_hint = false} : vector<196x48xbf16>, vector<196x48xbf16>, vector<196x196xf32> -> vector<196x196xf32>
    %mul3A_179 = arith.constant 0.144337565 : f32
    %mul3A_180 = vector.broadcast %mul3A_179 : f32 to vector<196x196xf32>
    %mul3A_181 = arith.mulf %dot_general3A_178, %mul3A_180 : vector<196x196xf32>
    %reduce_max3A_182 = arith.constant dense<0xFF800000> : vector<196xf32>
    %reduce_max3A_183 = vector.multi_reduction <maximumf>, %mul3A_181, %reduce_max3A_182 [1] : vector<196x196xf32> to vector<196xf32>
    %broadcast_in_dim3A_184 = vector.shape_cast %reduce_max3A_183 : vector<196xf32> to vector<196x1xf32>
    %sub3A_185 = vector.broadcast %broadcast_in_dim3A_184 : vector<196x1xf32> to vector<196x196xf32>
    %sub3A_186 = arith.subf %mul3A_181, %sub3A_185 : vector<196x196xf32>
    %exp3A_187 = math.exp %sub3A_186 : vector<196x196xf32>
    %reduce_sum3A_188 = arith.constant dense<0.000000e+00> : vector<196xf32>
    %reduce_sum3A_189 = vector.multi_reduction <add>, %exp3A_187, %reduce_sum3A_188 [1] : vector<196x196xf32> to vector<196xf32>
    %broadcast_in_dim3A_190 = vector.shape_cast %reduce_sum3A_189 : vector<196xf32> to vector<196x1xf32>
    %div3A_191 = vector.broadcast %broadcast_in_dim3A_190 : vector<196x1xf32> to vector<196x196xf32>
    %div3A_192 = arith.divf %exp3A_187, %div3A_191 : vector<196x196xf32>
    %convert_element_type3A_193 = arith.truncf %div3A_192 : vector<196x196xf32> to vector<196x196xbf16>
    %slice3A_194 = vector.extract_strided_slice %convert_element_type3A_60 {offsets = [0, 624], sizes = [196, 48], strides = [1, 1]} : vector<196x768xbf16> to vector<196x48xbf16>
    %dot_general3A_195 = arith.constant dense<0.000000e+00> : vector<196x48xf32>
    %dot_general3A_196 = tpu.matmul %convert_element_type3A_193, %slice3A_194, %dot_general3A_195 {dimension_numbers = #tpu.dot_dimension_numbers<[1], [0], [0], [1], [0, 0, 1, 1], [], []>, transpose_lhs_hint = false} : vector<196x196xbf16>, vector<196x48xbf16>, vector<196x48xf32> -> vector<196x48xf32>
    %slice3A_197 = vector.extract_strided_slice %get3A_66 {offsets = [0, 288], sizes = [196, 48], strides = [1, 1]} : vector<196x384xbf16> to vector<196x48xbf16>
    %slice3A_198 = vector.extract_strided_slice %convert_element_type3A_60 {offsets = [0, 288], sizes = [196, 48], strides = [1, 1]} : vector<196x768xbf16> to vector<196x48xbf16>
    %dot_general3A_199 = arith.constant dense<0.000000e+00> : vector<196x196xf32>
    %dot_general3A_200 = tpu.matmul %slice3A_197, %slice3A_198, %dot_general3A_199 {dimension_numbers = #tpu.dot_dimension_numbers<[1], [1], [0], [0], [0, 0, 1, 0], [], []>, transpose_lhs_hint = false} : vector<196x48xbf16>, vector<196x48xbf16>, vector<196x196xf32> -> vector<196x196xf32>
    %mul3A_201 = arith.constant 0.144337565 : f32
    %mul3A_202 = vector.broadcast %mul3A_201 : f32 to vector<196x196xf32>
    %mul3A_203 = arith.mulf %dot_general3A_200, %mul3A_202 : vector<196x196xf32>
    %reduce_max3A_204 = arith.constant dense<0xFF800000> : vector<196xf32>
    %reduce_max3A_205 = vector.multi_reduction <maximumf>, %mul3A_203, %reduce_max3A_204 [1] : vector<196x196xf32> to vector<196xf32>
    %broadcast_in_dim3A_206 = vector.shape_cast %reduce_max3A_205 : vector<196xf32> to vector<196x1xf32>
    %sub3A_207 = vector.broadcast %broadcast_in_dim3A_206 : vector<196x1xf32> to vector<196x196xf32>
    %sub3A_208 = arith.subf %mul3A_203, %sub3A_207 : vector<196x196xf32>
    %exp3A_209 = math.exp %sub3A_208 : vector<196x196xf32>
    %reduce_sum3A_210 = arith.constant dense<0.000000e+00> : vector<196xf32>
    %reduce_sum3A_211 = vector.multi_reduction <add>, %exp3A_209, %reduce_sum3A_210 [1] : vector<196x196xf32> to vector<196xf32>
    %broadcast_in_dim3A_212 = vector.shape_cast %reduce_sum3A_211 : vector<196xf32> to vector<196x1xf32>
    %div3A_213 = vector.broadcast %broadcast_in_dim3A_212 : vector<196x1xf32> to vector<196x196xf32>
    %div3A_214 = arith.divf %exp3A_209, %div3A_213 : vector<196x196xf32>
    %convert_element_type3A_215 = arith.truncf %div3A_214 : vector<196x196xf32> to vector<196x196xbf16>
    %slice3A_216 = vector.extract_strided_slice %convert_element_type3A_60 {offsets = [0, 672], sizes = [196, 48], strides = [1, 1]} : vector<196x768xbf16> to vector<196x48xbf16>
    %dot_general3A_217 = arith.constant dense<0.000000e+00> : vector<196x48xf32>
    %dot_general3A_218 = tpu.matmul %convert_element_type3A_215, %slice3A_216, %dot_general3A_217 {dimension_numbers = #tpu.dot_dimension_numbers<[1], [0], [0], [1], [0, 0, 1, 1], [], []>, transpose_lhs_hint = false} : vector<196x196xbf16>, vector<196x48xbf16>, vector<196x48xf32> -> vector<196x48xf32>
    %slice3A_219 = vector.extract_strided_slice %get3A_66 {offsets = [0, 336], sizes = [196, 48], strides = [1, 1]} : vector<196x384xbf16> to vector<196x48xbf16>
    %slice3A_220 = vector.extract_strided_slice %convert_element_type3A_60 {offsets = [0, 336], sizes = [196, 48], strides = [1, 1]} : vector<196x768xbf16> to vector<196x48xbf16>
    %dot_general3A_221 = arith.constant dense<0.000000e+00> : vector<196x196xf32>
    %dot_general3A_222 = tpu.matmul %slice3A_219, %slice3A_220, %dot_general3A_221 {dimension_numbers = #tpu.dot_dimension_numbers<[1], [1], [0], [0], [0, 0, 1, 0], [], []>, transpose_lhs_hint = false} : vector<196x48xbf16>, vector<196x48xbf16>, vector<196x196xf32> -> vector<196x196xf32>
    %mul3A_223 = arith.constant 0.144337565 : f32
    %mul3A_224 = vector.broadcast %mul3A_223 : f32 to vector<196x196xf32>
    %mul3A_225 = arith.mulf %dot_general3A_222, %mul3A_224 : vector<196x196xf32>
    %reduce_max3A_226 = arith.constant dense<0xFF800000> : vector<196xf32>
    %reduce_max3A_227 = vector.multi_reduction <maximumf>, %mul3A_225, %reduce_max3A_226 [1] : vector<196x196xf32> to vector<196xf32>
    %broadcast_in_dim3A_228 = vector.shape_cast %reduce_max3A_227 : vector<196xf32> to vector<196x1xf32>
    %sub3A_229 = vector.broadcast %broadcast_in_dim3A_228 : vector<196x1xf32> to vector<196x196xf32>
    %sub3A_230 = arith.subf %mul3A_225, %sub3A_229 : vector<196x196xf32>
    %exp3A_231 = math.exp %sub3A_230 : vector<196x196xf32>
    %reduce_sum3A_232 = arith.constant dense<0.000000e+00> : vector<196xf32>
    %reduce_sum3A_233 = vector.multi_reduction <add>, %exp3A_231, %reduce_sum3A_232 [1] : vector<196x196xf32> to vector<196xf32>
    %broadcast_in_dim3A_234 = vector.shape_cast %reduce_sum3A_233 : vector<196xf32> to vector<196x1xf32>
    %div3A_235 = vector.broadcast %broadcast_in_dim3A_234 : vector<196x1xf32> to vector<196x196xf32>
    %div3A_236 = arith.divf %exp3A_231, %div3A_235 : vector<196x196xf32>
    %convert_element_type3A_237 = arith.truncf %div3A_236 : vector<196x196xf32> to vector<196x196xbf16>
    %slice3A_238 = vector.extract_strided_slice %convert_element_type3A_60 {offsets = [0, 720], sizes = [196, 48], strides = [1, 1]} : vector<196x768xbf16> to vector<196x48xbf16>
    %dot_general3A_239 = arith.constant dense<0.000000e+00> : vector<196x48xf32>
    %dot_general3A_240 = tpu.matmul %convert_element_type3A_237, %slice3A_238, %dot_general3A_239 {dimension_numbers = #tpu.dot_dimension_numbers<[1], [0], [0], [1], [0, 0, 1, 1], [], []>, transpose_lhs_hint = false} : vector<196x196xbf16>, vector<196x48xbf16>, vector<196x48xf32> -> vector<196x48xf32>
    %concatenate3A = tpu.concatenate %dot_general3A_86, %dot_general3A_108, %dot_general3A_130, %dot_general3A_152, %dot_general3A_174, %dot_general3A_196, %dot_general3A_218, %dot_general3A_240 in 1 : vector<196x48xf32>, vector<196x48xf32>, vector<196x48xf32>, vector<196x48xf32>, vector<196x48xf32>, vector<196x48xf32>, vector<196x48xf32>, vector<196x48xf32> -> vector<196x384xf32>
    %convert_element_type3A_241 = arith.truncf %concatenate3A : vector<196x384xf32> to vector<196x384xbf16>
    %get3A_242 = arith.constant 0 : index
    %get3A_243 = arith.constant 0 : index
    %get3A_244 = vector.load %arg5[%get3A_242, %get3A_243] : memref<768x384xbf16, #tpu.memory_space<vmem>>, vector<768x384xbf16>
    %dot_general3A_245 = arith.constant dense<0.000000e+00> : vector<196x768xf32>
    %dot_general3A_246 = tpu.matmul %convert_element_type3A_241, %get3A_244, %dot_general3A_245 {dimension_numbers = #tpu.dot_dimension_numbers<[1], [1], [0], [0], [0, 0, 1, 0], [], []>, transpose_lhs_hint = false} : vector<196x384xbf16>, vector<768x384xbf16>, vector<196x768xf32> -> vector<196x768xf32>
    %get3A_247 = arith.constant 0 : index
    %get3A_248 = arith.constant 0 : index
    %get3A_249 = vector.load %arg6[%get3A_247, %get3A_248] : memref<1x768xf32, #tpu.memory_space<vmem>>, vector<1x768xf32>
    %add3A_250 = vector.broadcast %get3A_249 : vector<1x768xf32> to vector<196x768xf32>
    %add3A_251 = arith.addf %dot_general3A_246, %add3A_250 : vector<196x768xf32>
    %mul3A_252 = arith.constant 5.000000e-01 : f32
    %mul3A_253 = vector.broadcast %mul3A_252 : f32 to vector<196x768xf32>
    %mul3A_254 = arith.mulf %mul3A_253, %add3A_251 : vector<196x768xf32>
    %mul3A_255 = arith.constant 0.707106769 : f32
    %mul3A_256 = vector.broadcast %mul3A_255 : f32 to vector<196x768xf32>
    %mul3A_257 = arith.mulf %add3A_251, %mul3A_256 : vector<196x768xf32>
    %erf3A = math.erf %mul3A_257 : vector<196x768xf32>
    %add3A_258 = arith.constant 1.000000e+00 : f32
    %add3A_259 = vector.broadcast %add3A_258 : f32 to vector<196x768xf32>
    %add3A_260 = arith.addf %add3A_259, %erf3A : vector<196x768xf32>
    %mul3A_261 = arith.mulf %mul3A_254, %add3A_260 : vector<196x768xf32>
    %convert_element_type3A_262 = arith.truncf %mul3A_261 : vector<196x768xf32> to vector<196x768xbf16>
    %get3A_263 = arith.constant 0 : index
    %get3A_264 = arith.constant 0 : index
    %get3A_265 = vector.load %arg7[%get3A_263, %get3A_264] : memref<384x768xbf16, #tpu.memory_space<vmem>>, vector<384x768xbf16>
    %dot_general3A_266 = arith.constant dense<0.000000e+00> : vector<196x384xf32>
    %dot_general3A_267 = tpu.matmul %convert_element_type3A_262, %get3A_265, %dot_general3A_266 {dimension_numbers = #tpu.dot_dimension_numbers<[1], [1], [0], [0], [0, 0, 1, 0], [], []>, transpose_lhs_hint = false} : vector<196x768xbf16>, vector<384x768xbf16>, vector<196x384xf32> -> vector<196x384xf32>
    %get3A_268 = arith.constant 0 : index
    %get3A_269 = arith.constant 0 : index
    %get3A_270 = vector.load %arg8[%get3A_268, %get3A_269] : memref<1x384xf32, #tpu.memory_space<vmem>>, vector<1x384xf32>
    %add3A_271 = vector.broadcast %get3A_270 : vector<1x384xf32> to vector<196x384xf32>
    %add3A_272 = arith.addf %dot_general3A_267, %add3A_271 : vector<196x384xf32>
    %convert_element_type3A_273 = arith.truncf %add3A_272 : vector<196x384xf32> to vector<196x384xbf16>
    %slice3A_274 = vector.extract_strided_slice %convert_element_type3A_273 {offsets = [0, 0], sizes = [196, 48], strides = [1, 1]} : vector<196x384xbf16> to vector<196x48xbf16>
    %slice3A_275 = vector.extract_strided_slice %convert_element_type3A_63 {offsets = [0, 0], sizes = [196, 48], strides = [1, 1]} : vector<196x384xbf16> to vector<196x48xbf16>
    %dot_general3A_276 = arith.constant dense<0.000000e+00> : vector<196x196xf32>
    %dot_general3A_277 = tpu.matmul %slice3A_274, %slice3A_275, %dot_general3A_276 {dimension_numbers = #tpu.dot_dimension_numbers<[1], [1], [0], [0], [0, 0, 1, 0], [], []>, transpose_lhs_hint = false} : vector<196x48xbf16>, vector<196x48xbf16>, vector<196x196xf32> -> vector<196x196xf32>
    %slice3A_278 = vector.extract_strided_slice %convert_element_type3A_273 {offsets = [0, 48], sizes = [196, 48], strides = [1, 1]} : vector<196x384xbf16> to vector<196x48xbf16>
    %slice3A_279 = vector.extract_strided_slice %convert_element_type3A_63 {offsets = [0, 48], sizes = [196, 48], strides = [1, 1]} : vector<196x384xbf16> to vector<196x48xbf16>
    %dot_general3A_280 = arith.constant dense<0.000000e+00> : vector<196x196xf32>
    %dot_general3A_281 = tpu.matmul %slice3A_278, %slice3A_279, %dot_general3A_280 {dimension_numbers = #tpu.dot_dimension_numbers<[1], [1], [0], [0], [0, 0, 1, 0], [], []>, transpose_lhs_hint = false} : vector<196x48xbf16>, vector<196x48xbf16>, vector<196x196xf32> -> vector<196x196xf32>
    %add3A_282 = arith.addf %dot_general3A_277, %dot_general3A_281 : vector<196x196xf32>
    %slice3A_283 = vector.extract_strided_slice %convert_element_type3A_273 {offsets = [0, 96], sizes = [196, 48], strides = [1, 1]} : vector<196x384xbf16> to vector<196x48xbf16>
    %slice3A_284 = vector.extract_strided_slice %convert_element_type3A_63 {offsets = [0, 96], sizes = [196, 48], strides = [1, 1]} : vector<196x384xbf16> to vector<196x48xbf16>
    %dot_general3A_285 = arith.constant dense<0.000000e+00> : vector<196x196xf32>
    %dot_general3A_286 = tpu.matmul %slice3A_283, %slice3A_284, %dot_general3A_285 {dimension_numbers = #tpu.dot_dimension_numbers<[1], [1], [0], [0], [0, 0, 1, 0], [], []>, transpose_lhs_hint = false} : vector<196x48xbf16>, vector<196x48xbf16>, vector<196x196xf32> -> vector<196x196xf32>
    %add3A_287 = arith.addf %add3A_282, %dot_general3A_286 : vector<196x196xf32>
    %slice3A_288 = vector.extract_strided_slice %convert_element_type3A_273 {offsets = [0, 144], sizes = [196, 48], strides = [1, 1]} : vector<196x384xbf16> to vector<196x48xbf16>
    %slice3A_289 = vector.extract_strided_slice %convert_element_type3A_63 {offsets = [0, 144], sizes = [196, 48], strides = [1, 1]} : vector<196x384xbf16> to vector<196x48xbf16>
    %dot_general3A_290 = arith.constant dense<0.000000e+00> : vector<196x196xf32>
    %dot_general3A_291 = tpu.matmul %slice3A_288, %slice3A_289, %dot_general3A_290 {dimension_numbers = #tpu.dot_dimension_numbers<[1], [1], [0], [0], [0, 0, 1, 0], [], []>, transpose_lhs_hint = false} : vector<196x48xbf16>, vector<196x48xbf16>, vector<196x196xf32> -> vector<196x196xf32>
    %add3A_292 = arith.addf %add3A_287, %dot_general3A_291 : vector<196x196xf32>
    %slice3A_293 = vector.extract_strided_slice %convert_element_type3A_273 {offsets = [0, 192], sizes = [196, 48], strides = [1, 1]} : vector<196x384xbf16> to vector<196x48xbf16>
    %slice3A_294 = vector.extract_strided_slice %convert_element_type3A_63 {offsets = [0, 192], sizes = [196, 48], strides = [1, 1]} : vector<196x384xbf16> to vector<196x48xbf16>
    %dot_general3A_295 = arith.constant dense<0.000000e+00> : vector<196x196xf32>
    %dot_general3A_296 = tpu.matmul %slice3A_293, %slice3A_294, %dot_general3A_295 {dimension_numbers = #tpu.dot_dimension_numbers<[1], [1], [0], [0], [0, 0, 1, 0], [], []>, transpose_lhs_hint = false} : vector<196x48xbf16>, vector<196x48xbf16>, vector<196x196xf32> -> vector<196x196xf32>
    %add3A_297 = arith.addf %add3A_292, %dot_general3A_296 : vector<196x196xf32>
    %slice3A_298 = vector.extract_strided_slice %convert_element_type3A_273 {offsets = [0, 240], sizes = [196, 48], strides = [1, 1]} : vector<196x384xbf16> to vector<196x48xbf16>
    %slice3A_299 = vector.extract_strided_slice %convert_element_type3A_63 {offsets = [0, 240], sizes = [196, 48], strides = [1, 1]} : vector<196x384xbf16> to vector<196x48xbf16>
    %dot_general3A_300 = arith.constant dense<0.000000e+00> : vector<196x196xf32>
    %dot_general3A_301 = tpu.matmul %slice3A_298, %slice3A_299, %dot_general3A_300 {dimension_numbers = #tpu.dot_dimension_numbers<[1], [1], [0], [0], [0, 0, 1, 0], [], []>, transpose_lhs_hint = false} : vector<196x48xbf16>, vector<196x48xbf16>, vector<196x196xf32> -> vector<196x196xf32>
    %add3A_302 = arith.addf %add3A_297, %dot_general3A_301 : vector<196x196xf32>
    %slice3A_303 = vector.extract_strided_slice %convert_element_type3A_273 {offsets = [0, 288], sizes = [196, 48], strides = [1, 1]} : vector<196x384xbf16> to vector<196x48xbf16>
    %slice3A_304 = vector.extract_strided_slice %convert_element_type3A_63 {offsets = [0, 288], sizes = [196, 48], strides = [1, 1]} : vector<196x384xbf16> to vector<196x48xbf16>
    %dot_general3A_305 = arith.constant dense<0.000000e+00> : vector<196x196xf32>
    %dot_general3A_306 = tpu.matmul %slice3A_303, %slice3A_304, %dot_general3A_305 {dimension_numbers = #tpu.dot_dimension_numbers<[1], [1], [0], [0], [0, 0, 1, 0], [], []>, transpose_lhs_hint = false} : vector<196x48xbf16>, vector<196x48xbf16>, vector<196x196xf32> -> vector<196x196xf32>
    %add3A_307 = arith.addf %add3A_302, %dot_general3A_306 : vector<196x196xf32>
    %slice3A_308 = vector.extract_strided_slice %convert_element_type3A_273 {offsets = [0, 336], sizes = [196, 48], strides = [1, 1]} : vector<196x384xbf16> to vector<196x48xbf16>
    %slice3A_309 = vector.extract_strided_slice %convert_element_type3A_63 {offsets = [0, 336], sizes = [196, 48], strides = [1, 1]} : vector<196x384xbf16> to vector<196x48xbf16>
    %dot_general3A_310 = arith.constant dense<0.000000e+00> : vector<196x196xf32>
    %dot_general3A_311 = tpu.matmul %slice3A_308, %slice3A_309, %dot_general3A_310 {dimension_numbers = #tpu.dot_dimension_numbers<[1], [1], [0], [0], [0, 0, 1, 0], [], []>, transpose_lhs_hint = false} : vector<196x48xbf16>, vector<196x48xbf16>, vector<196x196xf32> -> vector<196x196xf32>
    %add3A_312 = arith.addf %add3A_307, %dot_general3A_311 : vector<196x196xf32>
    %mul3A_313 = arith.constant 1.250000e-01 : f32
    %mul3A_314 = vector.broadcast %mul3A_313 : f32 to vector<196x196xf32>
    %mul3A_315 = arith.mulf %add3A_312, %mul3A_314 : vector<196x196xf32>
    %reduce_max3A_316 = arith.constant dense<0xFF800000> : vector<196xf32>
    %reduce_max3A_317 = vector.multi_reduction <maximumf>, %mul3A_315, %reduce_max3A_316 [1] : vector<196x196xf32> to vector<196xf32>
    %broadcast_in_dim3A_318 = vector.shape_cast %reduce_max3A_317 : vector<196xf32> to vector<196x1xf32>
    %iota3A = tpu.iota {dimensions = array<i32: 1>} : vector<196x196xi32>
    %eq3A = vector.broadcast %broadcast_in_dim3A_318 : vector<196x1xf32> to vector<196x196xf32>
    %eq3A_319 = arith.cmpf oeq, %mul3A_315, %eq3A : vector<196x196xf32>
    %jit3A = arith.constant 196 : i32
    %broadcast_in_dim3A_320 = vector.broadcast %jit3A : i32 to vector<196x196xi32>
    %select_n3A = arith.select %eq3A_319, %iota3A, %broadcast_in_dim3A_320 : vector<196x196xi1>, vector<196x196xi32>
    %reduce_min3A = arith.constant dense<2147483647> : vector<196xi32>
    %reduce_min3A_321 = vector.multi_reduction <minsi>, %select_n3A, %reduce_min3A [1] : vector<196x196xi32> to vector<196xi32>
    %broadcast_in_dim3A_322 = vector.shape_cast %reduce_min3A_321 : vector<196xi32> to vector<196x1xi32>
    %eq3A_323 = vector.broadcast %broadcast_in_dim3A_322 : vector<196x1xi32> to vector<196x196xi32>
    %eq3A_324 = arith.cmpi eq, %iota3A, %eq3A_323 : vector<196x196xi32>
    %get3A_325 = arith.constant 0 : index
    %get3A_326 = arith.constant 0 : index
    %get3A_327 = vector.load %arg11[%get3A_325, %get3A_326] : memref<1x196xi32, #tpu.memory_space<vmem>>, vector<1x196xi32>
    %jit3A_328 = arith.constant 0 : i32
    %broadcast_in_dim3A_329 = vector.shape_cast %get3A_327 : vector<1x196xi32> to vector<1x196xi32>
    %broadcast_in_dim3A_330 = vector.broadcast %broadcast_in_dim3A_329 : vector<1x196xi32> to vector<196x196xi32>
    %broadcast_in_dim3A_331 = vector.broadcast %jit3A_328 : i32 to vector<196x196xi32>
    %select_n3A_332 = arith.select %eq3A_324, %broadcast_in_dim3A_330, %broadcast_in_dim3A_331 : vector<196x196xi1>, vector<196x196xi32>
    %reduce_sum3A_333 = arith.constant dense<0> : vector<196xi32>
    %reduce_sum3A_334 = vector.multi_reduction <add>, %select_n3A_332, %reduce_sum3A_333 [1] : vector<196x196xi32> to vector<196xi32>
    %broadcast_in_dim3A_335 = vector.shape_cast %reduce_sum3A_334 : vector<196xi32> to vector<196x1xi32>
    %get3A_336 = arith.constant 0 : index
    %get3A_337 = arith.constant 0 : index
    %get3A_338 = arith.constant 0 : index
    %get3A_339 = vector.load %arg2[%get3A_336, %get3A_337, %get3A_338] : memref<1x3136x384xf32, #tpu.memory_space<vmem>>, vector<1x3136x384xf32>
    %get3A_340 = vector.shape_cast %get3A_339 : vector<1x3136x384xf32> to vector<3136x384xf32>
    %reduce_sum3A_341 = arith.constant dense<0.000000e+00> : vector<3136xf32>
    %reduce_sum3A_342 = vector.multi_reduction <add>, %get3A_340, %reduce_sum3A_341 [1] : vector<3136x384xf32> to vector<3136xf32>
    %broadcast_in_dim3A_343 = vector.shape_cast %reduce_sum3A_342 : vector<3136xf32> to vector<3136x1xf32>
    %div3A_344 = arith.constant 3.840000e+02 : f32
    %div3A_345 = vector.broadcast %div3A_344 : f32 to vector<3136x1xf32>
    %div3A_346 = arith.divf %broadcast_in_dim3A_343, %div3A_345 : vector<3136x1xf32>
    %sub3A_347 = vector.broadcast %div3A_346 : vector<3136x1xf32> to vector<3136x384xf32>
    %sub3A_348 = arith.subf %get3A_340, %sub3A_347 : vector<3136x384xf32>
    %mul3A_349 = arith.mulf %sub3A_348, %sub3A_348 : vector<3136x384xf32>
    %reduce_sum3A_350 = arith.constant dense<0.000000e+00> : vector<3136xf32>
    %reduce_sum3A_351 = vector.multi_reduction <add>, %mul3A_349, %reduce_sum3A_350 [1] : vector<3136x384xf32> to vector<3136xf32>
    %broadcast_in_dim3A_352 = vector.shape_cast %reduce_sum3A_351 : vector<3136xf32> to vector<3136x1xf32>
    %div3A_353 = arith.constant 3.840000e+02 : f32
    %div3A_354 = vector.broadcast %div3A_353 : f32 to vector<3136x1xf32>
    %div3A_355 = arith.divf %broadcast_in_dim3A_352, %div3A_354 : vector<3136x1xf32>
    %add3A_356 = arith.constant 9.99999997E-7 : f32
    %add3A_357 = vector.broadcast %add3A_356 : f32 to vector<3136x1xf32>
    %add3A_358 = arith.addf %div3A_355, %add3A_357 : vector<3136x1xf32>
    %rsqrt3A_359 = math.rsqrt %add3A_358 : vector<3136x1xf32>
    %mul3A_360 = vector.broadcast %rsqrt3A_359 : vector<3136x1xf32> to vector<3136x384xf32>
    %mul3A_361 = arith.mulf %sub3A_348, %mul3A_360 : vector<3136x384xf32>
    %mul3A_362 = vector.broadcast %get3A_1 : vector<1x384xf32> to vector<3136x384xf32>
    %mul3A_363 = arith.mulf %mul3A_361, %mul3A_362 : vector<3136x384xf32>
    %add3A_364 = vector.broadcast %get3A_4 : vector<1x384xf32> to vector<3136x384xf32>
    %add3A_365 = arith.addf %mul3A_363, %add3A_364 : vector<3136x384xf32>
    %slice3A_366 = vector.extract_strided_slice %get3A_7 {offsets = [0, 0], sizes = [384, 384], strides = [1, 1]} : vector<768x384xf32> to vector<384x384xf32>
    %dot_general3A_367 = arith.constant dense<0.000000e+00> : vector<3136x384xf32>
    %dot_general3A_368 = tpu.matmul %add3A_365, %slice3A_366, %dot_general3A_367 {dimension_numbers = #tpu.dot_dimension_numbers<[1], [1], [0], [0], [0, 0, 1, 0], [], []>, transpose_lhs_hint = false} : vector<3136x384xf32>, vector<384x384xf32>, vector<3136x384xf32> -> vector<3136x384xf32>
    %convert_element_type3A_369 = arith.truncf %dot_general3A_368 : vector<3136x384xf32> to vector<3136x384xbf16>
    %swap3A = arith.constant 0 : index
    %swap3A_370 = arith.constant 0 : index
    %swap3A_371 = vector.load %arg15[%swap3A, %swap3A_370] : memref<3136x384xbf16, #tpu.memory_space<vmem>>, vector<3136x384xbf16>
    tpu.vector_store %arg15[%swap3A, %swap3A_370], %convert_element_type3A_369 {strides = array<i32>} : memref<3136x384xbf16, #tpu.memory_space<vmem>>, vector<3136x384xbf16>,
    %slice3A_372 = vector.extract_strided_slice %get3A_7 {offsets = [384, 0], sizes = [384, 384], strides = [1, 1]} : vector<768x384xf32> to vector<384x384xf32>
    %dot_general3A_373 = arith.constant dense<0.000000e+00> : vector<3136x384xf32>
    %dot_general3A_374 = tpu.matmul %add3A_365, %slice3A_372, %dot_general3A_373 {dimension_numbers = #tpu.dot_dimension_numbers<[1], [1], [0], [0], [0, 0, 1, 0], [], []>, transpose_lhs_hint = false} : vector<3136x384xf32>, vector<384x384xf32>, vector<3136x384xf32> -> vector<3136x384xf32>
    %convert_element_type3A_375 = arith.truncf %dot_general3A_374 : vector<3136x384xf32> to vector<3136x384xbf16>
    %swap3A_376 = arith.constant 0 : index
    %swap3A_377 = arith.constant 0 : index
    %swap3A_378 = vector.load %arg16[%swap3A_376, %swap3A_377] : memref<3136x384xbf16, #tpu.memory_space<vmem>>, vector<3136x384xbf16>
    tpu.vector_store %arg16[%swap3A_376, %swap3A_377], %convert_element_type3A_375 {strides = array<i32>} : memref<3136x384xbf16, #tpu.memory_space<vmem>>, vector<3136x384xbf16>,
    %iota3A_379 = tpu.iota {dimensions = array<i32: 1>} : vector<1x3136xi32>
    %add3A_380 = arith.constant 6 : i32
    %add3A_381 = vector.broadcast %add3A_380 : i32 to vector<1x3136xi32>
    %add3A_382 = arith.addi %iota3A_379, %add3A_381 : vector<1x3136xi32>
    %rem3A = arith.constant 56 : i32
    %rem3A_383 = vector.broadcast %rem3A : i32 to vector<1x3136xi32>
    %rem3A_384 = arith.remsi %add3A_382, %rem3A_383 : vector<1x3136xi32>
    %rem3A_385 = arith.constant 56 : i32
    %rem3A_386 = vector.broadcast %rem3A_385 : i32 to vector<196x1xi32>
    %rem3A_387 = arith.remsi %broadcast_in_dim3A_335, %rem3A_386 : vector<196x1xi32>
    %sub3A_388 = vector.broadcast %rem3A_384 : vector<1x3136xi32> to vector<196x3136xi32>
    %sub3A_389 = vector.broadcast %rem3A_387 : vector<196x1xi32> to vector<196x3136xi32>
    %sub3A_390 = arith.subi %sub3A_388, %sub3A_389 : vector<196x3136xi32>
    %lt3A = arith.constant 0 : i32
    %lt3A_391 = vector.broadcast %lt3A : i32 to vector<196x3136xi32>
    %lt3A_392 = arith.cmpi slt, %sub3A_390, %lt3A_391 : vector<196x3136xi32>
    %add3A_393 = arith.constant 56 : i32
    %add3A_394 = vector.broadcast %add3A_393 : i32 to vector<196x3136xi32>
    %add3A_395 = arith.addi %sub3A_390, %add3A_394 : vector<196x3136xi32>
    %select_n3A_396 = arith.select %lt3A_392, %add3A_395, %sub3A_390 : vector<196x3136xi1>, vector<196x3136xi32>
    %sub3A_397 = vector.broadcast %iota3A_379 : vector<1x3136xi32> to vector<196x3136xi32>
    %sub3A_398 = vector.broadcast %broadcast_in_dim3A_335 : vector<196x1xi32> to vector<196x3136xi32>
    %sub3A_399 = arith.subi %sub3A_397, %sub3A_398 : vector<196x3136xi32>
    %le3A = arith.constant 12 : i32
    %le3A_400 = vector.broadcast %le3A : i32 to vector<196x3136xi32>
    %le3A_401 = arith.cmpi sle, %select_n3A_396, %le3A_400 : vector<196x3136xi32>
    %abs3A = math.absi %sub3A_399 : vector<196x3136xi32>
    %le3A_402 = arith.constant 342 : i32
    %le3A_403 = vector.broadcast %le3A_402 : i32 to vector<196x3136xi32>
    %le3A_404 = arith.cmpi sle, %abs3A, %le3A_403 : vector<196x3136xi32>
    %and3A = arith.andi %le3A_401, %le3A_404 : vector<196x3136xi1>
    %eq3A_405 = arith.constant 0 : i32
    %eq3A_406 = vector.broadcast %eq3A_405 : i32 to vector<1x3136xi32>
    %eq3A_407 = arith.cmpi eq, %iota3A_379, %eq3A_406 : vector<1x3136xi32>
    %le3A_408 = arith.constant 342 : i32
    %le3A_409 = vector.broadcast %le3A_408 : i32 to vector<196x1xi32>
    %le3A_410 = arith.cmpi sle, %broadcast_in_dim3A_335, %le3A_409 : vector<196x1xi32>
    %and3A_411 = vector.broadcast %eq3A_407 : vector<1x3136xi1> to vector<196x3136xi1>
    %and3A_412 = vector.broadcast %le3A_410 : vector<196x1xi1> to vector<196x3136xi1>
    %and3A_413 = arith.andi %and3A_411, %and3A_412 : vector<196x3136xi1>
    %or3A = arith.ori %and3A, %and3A_413 : vector<196x3136xi1>
    %eq3A_414 = arith.constant 3135 : i32
    %eq3A_415 = vector.broadcast %eq3A_414 : i32 to vector<1x3136xi32>
    %eq3A_416 = arith.cmpi eq, %iota3A_379, %eq3A_415 : vector<1x3136xi32>
    %ge3A = arith.constant 2793 : i32
    %ge3A_417 = vector.broadcast %ge3A : i32 to vector<196x1xi32>
    %ge3A_418 = arith.cmpi sge, %broadcast_in_dim3A_335, %ge3A_417 : vector<196x1xi32>
    %and3A_419 = vector.broadcast %eq3A_416 : vector<1x3136xi1> to vector<196x3136xi1>
    %and3A_420 = vector.broadcast %ge3A_418 : vector<196x1xi1> to vector<196x3136xi1>
    %and3A_421 = arith.andi %and3A_419, %and3A_420 : vector<196x3136xi1>
    %or3A_422 = arith.ori %or3A, %and3A_421 : vector<196x3136xi1>
    %jit3A_423 = arith.constant 0.000000e+00 : f32
    %jit3A_424 = arith.constant -1.000000e+30 : f32
    %broadcast_in_dim3A_425 = vector.broadcast %jit3A_423 : f32 to vector<196x3136xf32>
    %broadcast_in_dim3A_426 = vector.broadcast %jit3A_424 : f32 to vector<196x3136xf32>
    %select_n3A_427 = arith.select %or3A_422, %broadcast_in_dim3A_425, %broadcast_in_dim3A_426 : vector<196x3136xi1>, vector<196x3136xf32>
    %mul3A_428 = arith.constant 0.144337565 : f32
    %mul3A_429 = vector.broadcast %mul3A_428 : f32 to vector<196x384xf32>
    %mul3A_430 = arith.mulf %add3A_272, %mul3A_429 : vector<196x384xf32>
    %convert_element_type3A_431 = arith.truncf %mul3A_430 : vector<196x384xf32> to vector<196x384xbf16>
    %get3A_432 = arith.constant 0 : index
    %get3A_433 = arith.constant 0 : index
    %get3A_434 = vector.load %arg15[%get3A_432, %get3A_433] : memref<3136x384xbf16, #tpu.memory_space<vmem>>, vector<3136x48xbf16>
    %get3A_435 = arith.constant 0 : index
    %get3A_436 = arith.constant 0 : index
    %get3A_437 = vector.load %arg16[%get3A_435, %get3A_436] : memref<3136x384xbf16, #tpu.memory_space<vmem>>, vector<3136x48xbf16>
    %slice3A_438 = vector.extract_strided_slice %convert_element_type3A_431 {offsets = [0, 0], sizes = [196, 48], strides = [1, 1]} : vector<196x384xbf16> to vector<196x48xbf16>
    %dot_general3A_439 = arith.constant dense<0.000000e+00> : vector<196x3136xf32>
    %dot_general3A_440 = tpu.matmul %slice3A_438, %get3A_434, %dot_general3A_439 {dimension_numbers = #tpu.dot_dimension_numbers<[1], [1], [0], [0], [0, 0, 1, 0], [], []>, transpose_lhs_hint = false} : vector<196x48xbf16>, vector<3136x48xbf16>, vector<196x3136xf32> -> vector<196x3136xf32>
    %add3A_441 = arith.addf %dot_general3A_440, %select_n3A_427 : vector<196x3136xf32>
    %reduce_max3A_442 = arith.constant dense<0xFF800000> : vector<196xf32>
    %reduce_max3A_443 = vector.multi_reduction <maximumf>, %add3A_441, %reduce_max3A_442 [1] : vector<196x3136xf32> to vector<196xf32>
    %broadcast_in_dim3A_444 = vector.shape_cast %reduce_max3A_443 : vector<196xf32> to vector<196x1xf32>
    %sub3A_445 = vector.broadcast %broadcast_in_dim3A_444 : vector<196x1xf32> to vector<196x3136xf32>
    %sub3A_446 = arith.subf %add3A_441, %sub3A_445 : vector<196x3136xf32>
    %exp3A_447 = math.exp %sub3A_446 : vector<196x3136xf32>
    %reduce_sum3A_448 = arith.constant dense<0.000000e+00> : vector<196xf32>
    %reduce_sum3A_449 = vector.multi_reduction <add>, %exp3A_447, %reduce_sum3A_448 [1] : vector<196x3136xf32> to vector<196xf32>
    %broadcast_in_dim3A_450 = vector.shape_cast %reduce_sum3A_449 : vector<196xf32> to vector<196x1xf32>
    %convert_element_type3A_451 = arith.truncf %exp3A_447 : vector<196x3136xf32> to vector<196x3136xbf16>
    %dot_general3A_452 = arith.constant dense<0.000000e+00> : vector<196x48xf32>
    %dot_general3A_453 = tpu.matmul %convert_element_type3A_451, %get3A_437, %dot_general3A_452 {dimension_numbers = #tpu.dot_dimension_numbers<[1], [0], [0], [1], [0, 0, 1, 1], [], []>, transpose_lhs_hint = false} : vector<196x3136xbf16>, vector<3136x48xbf16>, vector<196x48xf32> -> vector<196x48xf32>
    %div3A_454 = vector.broadcast %broadcast_in_dim3A_450 : vector<196x1xf32> to vector<196x48xf32>
    %div3A_455 = arith.divf %dot_general3A_453, %div3A_454 : vector<196x48xf32>
    %get3A_456 = arith.constant 0 : index
    %get3A_457 = arith.constant 48 : index
    %get3A_458 = vector.load %arg15[%get3A_456, %get3A_457] : memref<3136x384xbf16, #tpu.memory_space<vmem>>, vector<3136x48xbf16>
    %get3A_459 = arith.constant 0 : index
    %get3A_460 = arith.constant 48 : index
    %get3A_461 = vector.load %arg16[%get3A_459, %get3A_460] : memref<3136x384xbf16, #tpu.memory_space<vmem>>, vector<3136x48xbf16>
    %slice3A_462 = vector.extract_strided_slice %convert_element_type3A_431 {offsets = [0, 48], sizes = [196, 48], strides = [1, 1]} : vector<196x384xbf16> to vector<196x48xbf16>
    %dot_general3A_463 = arith.constant dense<0.000000e+00> : vector<196x3136xf32>
    %dot_general3A_464 = tpu.matmul %slice3A_462, %get3A_458, %dot_general3A_463 {dimension_numbers = #tpu.dot_dimension_numbers<[1], [1], [0], [0], [0, 0, 1, 0], [], []>, transpose_lhs_hint = false} : vector<196x48xbf16>, vector<3136x48xbf16>, vector<196x3136xf32> -> vector<196x3136xf32>
    %add3A_465 = arith.addf %dot_general3A_464, %select_n3A_427 : vector<196x3136xf32>
    %reduce_max3A_466 = arith.constant dense<0xFF800000> : vector<196xf32>
    %reduce_max3A_467 = vector.multi_reduction <maximumf>, %add3A_465, %reduce_max3A_466 [1] : vector<196x3136xf32> to vector<196xf32>
    %broadcast_in_dim3A_468 = vector.shape_cast %reduce_max3A_467 : vector<196xf32> to vector<196x1xf32>
    %sub3A_469 = vector.broadcast %broadcast_in_dim3A_468 : vector<196x1xf32> to vector<196x3136xf32>
    %sub3A_470 = arith.subf %add3A_465, %sub3A_469 : vector<196x3136xf32>
    %exp3A_471 = math.exp %sub3A_470 : vector<196x3136xf32>
    %reduce_sum3A_472 = arith.constant dense<0.000000e+00> : vector<196xf32>
    %reduce_sum3A_473 = vector.multi_reduction <add>, %exp3A_471, %reduce_sum3A_472 [1] : vector<196x3136xf32> to vector<196xf32>
    %broadcast_in_dim3A_474 = vector.shape_cast %reduce_sum3A_473 : vector<196xf32> to vector<196x1xf32>
    %convert_element_type3A_475 = arith.truncf %exp3A_471 : vector<196x3136xf32> to vector<196x3136xbf16>
    %dot_general3A_476 = arith.constant dense<0.000000e+00> : vector<196x48xf32>
    %dot_general3A_477 = tpu.matmul %convert_element_type3A_475, %get3A_461, %dot_general3A_476 {dimension_numbers = #tpu.dot_dimension_numbers<[1], [0], [0], [1], [0, 0, 1, 1], [], []>, transpose_lhs_hint = false} : vector<196x3136xbf16>, vector<3136x48xbf16>, vector<196x48xf32> -> vector<196x48xf32>
    %div3A_478 = vector.broadcast %broadcast_in_dim3A_474 : vector<196x1xf32> to vector<196x48xf32>
    %div3A_479 = arith.divf %dot_general3A_477, %div3A_478 : vector<196x48xf32>
    %get3A_480 = arith.constant 0 : index
    %get3A_481 = arith.constant 96 : index
    %get3A_482 = vector.load %arg15[%get3A_480, %get3A_481] : memref<3136x384xbf16, #tpu.memory_space<vmem>>, vector<3136x48xbf16>
    %get3A_483 = arith.constant 0 : index
    %get3A_484 = arith.constant 96 : index
    %get3A_485 = vector.load %arg16[%get3A_483, %get3A_484] : memref<3136x384xbf16, #tpu.memory_space<vmem>>, vector<3136x48xbf16>
    %slice3A_486 = vector.extract_strided_slice %convert_element_type3A_431 {offsets = [0, 96], sizes = [196, 48], strides = [1, 1]} : vector<196x384xbf16> to vector<196x48xbf16>
    %dot_general3A_487 = arith.constant dense<0.000000e+00> : vector<196x3136xf32>
    %dot_general3A_488 = tpu.matmul %slice3A_486, %get3A_482, %dot_general3A_487 {dimension_numbers = #tpu.dot_dimension_numbers<[1], [1], [0], [0], [0, 0, 1, 0], [], []>, transpose_lhs_hint = false} : vector<196x48xbf16>, vector<3136x48xbf16>, vector<196x3136xf32> -> vector<196x3136xf32>
    %add3A_489 = arith.addf %dot_general3A_488, %select_n3A_427 : vector<196x3136xf32>
    %reduce_max3A_490 = arith.constant dense<0xFF800000> : vector<196xf32>
    %reduce_max3A_491 = vector.multi_reduction <maximumf>, %add3A_489, %reduce_max3A_490 [1] : vector<196x3136xf32> to vector<196xf32>
    %broadcast_in_dim3A_492 = vector.shape_cast %reduce_max3A_491 : vector<196xf32> to vector<196x1xf32>
    %sub3A_493 = vector.broadcast %broadcast_in_dim3A_492 : vector<196x1xf32> to vector<196x3136xf32>
    %sub3A_494 = arith.subf %add3A_489, %sub3A_493 : vector<196x3136xf32>
    %exp3A_495 = math.exp %sub3A_494 : vector<196x3136xf32>
    %reduce_sum3A_496 = arith.constant dense<0.000000e+00> : vector<196xf32>
    %reduce_sum3A_497 = vector.multi_reduction <add>, %exp3A_495, %reduce_sum3A_496 [1] : vector<196x3136xf32> to vector<196xf32>
    %broadcast_in_dim3A_498 = vector.shape_cast %reduce_sum3A_497 : vector<196xf32> to vector<196x1xf32>
    %convert_element_type3A_499 = arith.truncf %exp3A_495 : vector<196x3136xf32> to vector<196x3136xbf16>
    %dot_general3A_500 = arith.constant dense<0.000000e+00> : vector<196x48xf32>
    %dot_general3A_501 = tpu.matmul %convert_element_type3A_499, %get3A_485, %dot_general3A_500 {dimension_numbers = #tpu.dot_dimension_numbers<[1], [0], [0], [1], [0, 0, 1, 1], [], []>, transpose_lhs_hint = false} : vector<196x3136xbf16>, vector<3136x48xbf16>, vector<196x48xf32> -> vector<196x48xf32>
    %div3A_502 = vector.broadcast %broadcast_in_dim3A_498 : vector<196x1xf32> to vector<196x48xf32>
    %div3A_503 = arith.divf %dot_general3A_501, %div3A_502 : vector<196x48xf32>
    %get3A_504 = arith.constant 0 : index
    %get3A_505 = arith.constant 144 : index
    %get3A_506 = vector.load %arg15[%get3A_504, %get3A_505] : memref<3136x384xbf16, #tpu.memory_space<vmem>>, vector<3136x48xbf16>
    %get3A_507 = arith.constant 0 : index
    %get3A_508 = arith.constant 144 : index
    %get3A_509 = vector.load %arg16[%get3A_507, %get3A_508] : memref<3136x384xbf16, #tpu.memory_space<vmem>>, vector<3136x48xbf16>
    %slice3A_510 = vector.extract_strided_slice %convert_element_type3A_431 {offsets = [0, 144], sizes = [196, 48], strides = [1, 1]} : vector<196x384xbf16> to vector<196x48xbf16>
    %dot_general3A_511 = arith.constant dense<0.000000e+00> : vector<196x3136xf32>
    %dot_general3A_512 = tpu.matmul %slice3A_510, %get3A_506, %dot_general3A_511 {dimension_numbers = #tpu.dot_dimension_numbers<[1], [1], [0], [0], [0, 0, 1, 0], [], []>, transpose_lhs_hint = false} : vector<196x48xbf16>, vector<3136x48xbf16>, vector<196x3136xf32> -> vector<196x3136xf32>
    %add3A_513 = arith.addf %dot_general3A_512, %select_n3A_427 : vector<196x3136xf32>
    %reduce_max3A_514 = arith.constant dense<0xFF800000> : vector<196xf32>
    %reduce_max3A_515 = vector.multi_reduction <maximumf>, %add3A_513, %reduce_max3A_514 [1] : vector<196x3136xf32> to vector<196xf32>
    %broadcast_in_dim3A_516 = vector.shape_cast %reduce_max3A_515 : vector<196xf32> to vector<196x1xf32>
    %sub3A_517 = vector.broadcast %broadcast_in_dim3A_516 : vector<196x1xf32> to vector<196x3136xf32>
    %sub3A_518 = arith.subf %add3A_513, %sub3A_517 : vector<196x3136xf32>
    %exp3A_519 = math.exp %sub3A_518 : vector<196x3136xf32>
    %reduce_sum3A_520 = arith.constant dense<0.000000e+00> : vector<196xf32>
    %reduce_sum3A_521 = vector.multi_reduction <add>, %exp3A_519, %reduce_sum3A_520 [1] : vector<196x3136xf32> to vector<196xf32>
    %broadcast_in_dim3A_522 = vector.shape_cast %reduce_sum3A_521 : vector<196xf32> to vector<196x1xf32>
    %convert_element_type3A_523 = arith.truncf %exp3A_519 : vector<196x3136xf32> to vector<196x3136xbf16>
    %dot_general3A_524 = arith.constant dense<0.000000e+00> : vector<196x48xf32>
    %dot_general3A_525 = tpu.matmul %convert_element_type3A_523, %get3A_509, %dot_general3A_524 {dimension_numbers = #tpu.dot_dimension_numbers<[1], [0], [0], [1], [0, 0, 1, 1], [], []>, transpose_lhs_hint = false} : vector<196x3136xbf16>, vector<3136x48xbf16>, vector<196x48xf32> -> vector<196x48xf32>
    %div3A_526 = vector.broadcast %broadcast_in_dim3A_522 : vector<196x1xf32> to vector<196x48xf32>
    %div3A_527 = arith.divf %dot_general3A_525, %div3A_526 : vector<196x48xf32>
    %get3A_528 = arith.constant 0 : index
    %get3A_529 = arith.constant 192 : index
    %get3A_530 = vector.load %arg15[%get3A_528, %get3A_529] : memref<3136x384xbf16, #tpu.memory_space<vmem>>, vector<3136x48xbf16>
    %get3A_531 = arith.constant 0 : index
    %get3A_532 = arith.constant 192 : index
    %get3A_533 = vector.load %arg16[%get3A_531, %get3A_532] : memref<3136x384xbf16, #tpu.memory_space<vmem>>, vector<3136x48xbf16>
    %slice3A_534 = vector.extract_strided_slice %convert_element_type3A_431 {offsets = [0, 192], sizes = [196, 48], strides = [1, 1]} : vector<196x384xbf16> to vector<196x48xbf16>
    %dot_general3A_535 = arith.constant dense<0.000000e+00> : vector<196x3136xf32>
    %dot_general3A_536 = tpu.matmul %slice3A_534, %get3A_530, %dot_general3A_535 {dimension_numbers = #tpu.dot_dimension_numbers<[1], [1], [0], [0], [0, 0, 1, 0], [], []>, transpose_lhs_hint = false} : vector<196x48xbf16>, vector<3136x48xbf16>, vector<196x3136xf32> -> vector<196x3136xf32>
    %add3A_537 = arith.addf %dot_general3A_536, %select_n3A_427 : vector<196x3136xf32>
    %reduce_max3A_538 = arith.constant dense<0xFF800000> : vector<196xf32>
    %reduce_max3A_539 = vector.multi_reduction <maximumf>, %add3A_537, %reduce_max3A_538 [1] : vector<196x3136xf32> to vector<196xf32>
    %broadcast_in_dim3A_540 = vector.shape_cast %reduce_max3A_539 : vector<196xf32> to vector<196x1xf32>
    %sub3A_541 = vector.broadcast %broadcast_in_dim3A_540 : vector<196x1xf32> to vector<196x3136xf32>
    %sub3A_542 = arith.subf %add3A_537, %sub3A_541 : vector<196x3136xf32>
    %exp3A_543 = math.exp %sub3A_542 : vector<196x3136xf32>
    %reduce_sum3A_544 = arith.constant dense<0.000000e+00> : vector<196xf32>
    %reduce_sum3A_545 = vector.multi_reduction <add>, %exp3A_543, %reduce_sum3A_544 [1] : vector<196x3136xf32> to vector<196xf32>
    %broadcast_in_dim3A_546 = vector.shape_cast %reduce_sum3A_545 : vector<196xf32> to vector<196x1xf32>
    %convert_element_type3A_547 = arith.truncf %exp3A_543 : vector<196x3136xf32> to vector<196x3136xbf16>
    %dot_general3A_548 = arith.constant dense<0.000000e+00> : vector<196x48xf32>
    %dot_general3A_549 = tpu.matmul %convert_element_type3A_547, %get3A_533, %dot_general3A_548 {dimension_numbers = #tpu.dot_dimension_numbers<[1], [0], [0], [1], [0, 0, 1, 1], [], []>, transpose_lhs_hint = false} : vector<196x3136xbf16>, vector<3136x48xbf16>, vector<196x48xf32> -> vector<196x48xf32>
    %div3A_550 = vector.broadcast %broadcast_in_dim3A_546 : vector<196x1xf32> to vector<196x48xf32>
    %div3A_551 = arith.divf %dot_general3A_549, %div3A_550 : vector<196x48xf32>
    %get3A_552 = arith.constant 0 : index
    %get3A_553 = arith.constant 240 : index
    %get3A_554 = vector.load %arg15[%get3A_552, %get3A_553] : memref<3136x384xbf16, #tpu.memory_space<vmem>>, vector<3136x48xbf16>
    %get3A_555 = arith.constant 0 : index
    %get3A_556 = arith.constant 240 : index
    %get3A_557 = vector.load %arg16[%get3A_555, %get3A_556] : memref<3136x384xbf16, #tpu.memory_space<vmem>>, vector<3136x48xbf16>
    %slice3A_558 = vector.extract_strided_slice %convert_element_type3A_431 {offsets = [0, 240], sizes = [196, 48], strides = [1, 1]} : vector<196x384xbf16> to vector<196x48xbf16>
    %dot_general3A_559 = arith.constant dense<0.000000e+00> : vector<196x3136xf32>
    %dot_general3A_560 = tpu.matmul %slice3A_558, %get3A_554, %dot_general3A_559 {dimension_numbers = #tpu.dot_dimension_numbers<[1], [1], [0], [0], [0, 0, 1, 0], [], []>, transpose_lhs_hint = false} : vector<196x48xbf16>, vector<3136x48xbf16>, vector<196x3136xf32> -> vector<196x3136xf32>
    %add3A_561 = arith.addf %dot_general3A_560, %select_n3A_427 : vector<196x3136xf32>
    %reduce_max3A_562 = arith.constant dense<0xFF800000> : vector<196xf32>
    %reduce_max3A_563 = vector.multi_reduction <maximumf>, %add3A_561, %reduce_max3A_562 [1] : vector<196x3136xf32> to vector<196xf32>
    %broadcast_in_dim3A_564 = vector.shape_cast %reduce_max3A_563 : vector<196xf32> to vector<196x1xf32>
    %sub3A_565 = vector.broadcast %broadcast_in_dim3A_564 : vector<196x1xf32> to vector<196x3136xf32>
    %sub3A_566 = arith.subf %add3A_561, %sub3A_565 : vector<196x3136xf32>
    %exp3A_567 = math.exp %sub3A_566 : vector<196x3136xf32>
    %reduce_sum3A_568 = arith.constant dense<0.000000e+00> : vector<196xf32>
    %reduce_sum3A_569 = vector.multi_reduction <add>, %exp3A_567, %reduce_sum3A_568 [1] : vector<196x3136xf32> to vector<196xf32>
    %broadcast_in_dim3A_570 = vector.shape_cast %reduce_sum3A_569 : vector<196xf32> to vector<196x1xf32>
    %convert_element_type3A_571 = arith.truncf %exp3A_567 : vector<196x3136xf32> to vector<196x3136xbf16>
    %dot_general3A_572 = arith.constant dense<0.000000e+00> : vector<196x48xf32>
    %dot_general3A_573 = tpu.matmul %convert_element_type3A_571, %get3A_557, %dot_general3A_572 {dimension_numbers = #tpu.dot_dimension_numbers<[1], [0], [0], [1], [0, 0, 1, 1], [], []>, transpose_lhs_hint = false} : vector<196x3136xbf16>, vector<3136x48xbf16>, vector<196x48xf32> -> vector<196x48xf32>
    %div3A_574 = vector.broadcast %broadcast_in_dim3A_570 : vector<196x1xf32> to vector<196x48xf32>
    %div3A_575 = arith.divf %dot_general3A_573, %div3A_574 : vector<196x48xf32>
    %get3A_576 = arith.constant 0 : index
    %get3A_577 = arith.constant 288 : index
    %get3A_578 = vector.load %arg15[%get3A_576, %get3A_577] : memref<3136x384xbf16, #tpu.memory_space<vmem>>, vector<3136x48xbf16>
    %get3A_579 = arith.constant 0 : index
    %get3A_580 = arith.constant 288 : index
    %get3A_581 = vector.load %arg16[%get3A_579, %get3A_580] : memref<3136x384xbf16, #tpu.memory_space<vmem>>, vector<3136x48xbf16>
    %slice3A_582 = vector.extract_strided_slice %convert_element_type3A_431 {offsets = [0, 288], sizes = [196, 48], strides = [1, 1]} : vector<196x384xbf16> to vector<196x48xbf16>
    %dot_general3A_583 = arith.constant dense<0.000000e+00> : vector<196x3136xf32>
    %dot_general3A_584 = tpu.matmul %slice3A_582, %get3A_578, %dot_general3A_583 {dimension_numbers = #tpu.dot_dimension_numbers<[1], [1], [0], [0], [0, 0, 1, 0], [], []>, transpose_lhs_hint = false} : vector<196x48xbf16>, vector<3136x48xbf16>, vector<196x3136xf32> -> vector<196x3136xf32>
    %add3A_585 = arith.addf %dot_general3A_584, %select_n3A_427 : vector<196x3136xf32>
    %reduce_max3A_586 = arith.constant dense<0xFF800000> : vector<196xf32>
    %reduce_max3A_587 = vector.multi_reduction <maximumf>, %add3A_585, %reduce_max3A_586 [1] : vector<196x3136xf32> to vector<196xf32>
    %broadcast_in_dim3A_588 = vector.shape_cast %reduce_max3A_587 : vector<196xf32> to vector<196x1xf32>
    %sub3A_589 = vector.broadcast %broadcast_in_dim3A_588 : vector<196x1xf32> to vector<196x3136xf32>
    %sub3A_590 = arith.subf %add3A_585, %sub3A_589 : vector<196x3136xf32>
    %exp3A_591 = math.exp %sub3A_590 : vector<196x3136xf32>
    %reduce_sum3A_592 = arith.constant dense<0.000000e+00> : vector<196xf32>
    %reduce_sum3A_593 = vector.multi_reduction <add>, %exp3A_591, %reduce_sum3A_592 [1] : vector<196x3136xf32> to vector<196xf32>
    %broadcast_in_dim3A_594 = vector.shape_cast %reduce_sum3A_593 : vector<196xf32> to vector<196x1xf32>
    %convert_element_type3A_595 = arith.truncf %exp3A_591 : vector<196x3136xf32> to vector<196x3136xbf16>
    %dot_general3A_596 = arith.constant dense<0.000000e+00> : vector<196x48xf32>
    %dot_general3A_597 = tpu.matmul %convert_element_type3A_595, %get3A_581, %dot_general3A_596 {dimension_numbers = #tpu.dot_dimension_numbers<[1], [0], [0], [1], [0, 0, 1, 1], [], []>, transpose_lhs_hint = false} : vector<196x3136xbf16>, vector<3136x48xbf16>, vector<196x48xf32> -> vector<196x48xf32>
    %div3A_598 = vector.broadcast %broadcast_in_dim3A_594 : vector<196x1xf32> to vector<196x48xf32>
    %div3A_599 = arith.divf %dot_general3A_597, %div3A_598 : vector<196x48xf32>
    %get3A_600 = arith.constant 0 : index
    %get3A_601 = arith.constant 336 : index
    %get3A_602 = vector.load %arg15[%get3A_600, %get3A_601] : memref<3136x384xbf16, #tpu.memory_space<vmem>>, vector<3136x48xbf16>
    %get3A_603 = arith.constant 0 : index
    %get3A_604 = arith.constant 336 : index
    %get3A_605 = vector.load %arg16[%get3A_603, %get3A_604] : memref<3136x384xbf16, #tpu.memory_space<vmem>>, vector<3136x48xbf16>
    %slice3A_606 = vector.extract_strided_slice %convert_element_type3A_431 {offsets = [0, 336], sizes = [196, 48], strides = [1, 1]} : vector<196x384xbf16> to vector<196x48xbf16>
    %dot_general3A_607 = arith.constant dense<0.000000e+00> : vector<196x3136xf32>
    %dot_general3A_608 = tpu.matmul %slice3A_606, %get3A_602, %dot_general3A_607 {dimension_numbers = #tpu.dot_dimension_numbers<[1], [1], [0], [0], [0, 0, 1, 0], [], []>, transpose_lhs_hint = false} : vector<196x48xbf16>, vector<3136x48xbf16>, vector<196x3136xf32> -> vector<196x3136xf32>
    %add3A_609 = arith.addf %dot_general3A_608, %select_n3A_427 : vector<196x3136xf32>
    %reduce_max3A_610 = arith.constant dense<0xFF800000> : vector<196xf32>
    %reduce_max3A_611 = vector.multi_reduction <maximumf>, %add3A_609, %reduce_max3A_610 [1] : vector<196x3136xf32> to vector<196xf32>
    %broadcast_in_dim3A_612 = vector.shape_cast %reduce_max3A_611 : vector<196xf32> to vector<196x1xf32>
    %sub3A_613 = vector.broadcast %broadcast_in_dim3A_612 : vector<196x1xf32> to vector<196x3136xf32>
    %sub3A_614 = arith.subf %add3A_609, %sub3A_613 : vector<196x3136xf32>
    %exp3A_615 = math.exp %sub3A_614 : vector<196x3136xf32>
    %reduce_sum3A_616 = arith.constant dense<0.000000e+00> : vector<196xf32>
    %reduce_sum3A_617 = vector.multi_reduction <add>, %exp3A_615, %reduce_sum3A_616 [1] : vector<196x3136xf32> to vector<196xf32>
    %broadcast_in_dim3A_618 = vector.shape_cast %reduce_sum3A_617 : vector<196xf32> to vector<196x1xf32>
    %convert_element_type3A_619 = arith.truncf %exp3A_615 : vector<196x3136xf32> to vector<196x3136xbf16>
    %dot_general3A_620 = arith.constant dense<0.000000e+00> : vector<196x48xf32>
    %dot_general3A_621 = tpu.matmul %convert_element_type3A_619, %get3A_605, %dot_general3A_620 {dimension_numbers = #tpu.dot_dimension_numbers<[1], [0], [0], [1], [0, 0, 1, 1], [], []>, transpose_lhs_hint = false} : vector<196x3136xbf16>, vector<3136x48xbf16>, vector<196x48xf32> -> vector<196x48xf32>
    %div3A_622 = vector.broadcast %broadcast_in_dim3A_618 : vector<196x1xf32> to vector<196x48xf32>
    %div3A_623 = arith.divf %dot_general3A_621, %div3A_622 : vector<196x48xf32>
    %concatenate3A_624 = tpu.concatenate %div3A_455, %div3A_479, %div3A_503, %div3A_527, %div3A_551, %div3A_575, %div3A_599, %div3A_623 in 1 : vector<196x48xf32>, vector<196x48xf32>, vector<196x48xf32>, vector<196x48xf32>, vector<196x48xf32>, vector<196x48xf32>, vector<196x48xf32>, vector<196x48xf32> -> vector<196x384xf32>
    %get3A_625 = arith.constant 0 : index
    %get3A_626 = arith.constant 0 : index
    %get3A_627 = vector.load %arg12[%get3A_625, %get3A_626] : memref<384x384xf32, #tpu.memory_space<vmem>>, vector<384x384xf32>
    %dot_general3A_628 = arith.constant dense<0.000000e+00> : vector<196x384xf32>
    %dot_general3A_629 = tpu.matmul %concatenate3A_624, %get3A_627, %dot_general3A_628 {dimension_numbers = #tpu.dot_dimension_numbers<[1], [1], [0], [0], [0, 0, 1, 0], [], []>, transpose_lhs_hint = false} : vector<196x384xf32>, vector<384x384xf32>, vector<196x384xf32> -> vector<196x384xf32>
    %get3A_630 = arith.constant 0 : index
    %get3A_631 = arith.constant 0 : index
    %get3A_632 = vector.load %arg13[%get3A_630, %get3A_631] : memref<1x384xf32, #tpu.memory_space<vmem>>, vector<1x384xf32>
    %add3A_633 = vector.broadcast %get3A_632 : vector<1x384xf32> to vector<196x384xf32>
    %add3A_634 = arith.addf %dot_general3A_629, %add3A_633 : vector<196x384xf32>
    %swap3A_635 = arith.constant 0 : index
    %swap3A_636 = arith.constant 0 : index
    %swap3A_637 = arith.constant 0 : index
    %swap3A_638 = vector.load %arg14[%swap3A_635, %swap3A_636, %swap3A_637] : memref<1x196x384xf32, #tpu.memory_space<vmem>>, vector<1x196x384xf32>
    %swap3A_639 = vector.shape_cast %swap3A_638 : vector<1x196x384xf32> to vector<196x384xf32>
    %swap3A_640 = vector.shape_cast %add3A_634 : vector<196x384xf32> to vector<1x196x384xf32>
    tpu.vector_store %arg14[%swap3A_635, %swap3A_636, %swap3A_637], %swap3A_640 {strides = array<i32>} : memref<1x196x384xf32, #tpu.memory_space<vmem>>, vector<1x196x384xf32>,
    return
  }
  func.func @transform_0(%arg0: i32) -> (i32, i32) {
    %c0_i32 = arith.constant 0 : i32
    %c0_i32_0 = arith.constant 0 : i32
    return %arg0, %c0_i32 : i32, i32
  }
  func.func @transform_1(%arg0: i32) -> (i32, i32, i32) {
    %c0_i32 = arith.constant 0 : i32
    %c0_i32_0 = arith.constant 0 : i32
    %c0_i32_1 = arith.constant 0 : i32
    return %arg0, %c0_i32, %c0_i32_0 : i32, i32, i32
  }
  func.func @transform_2(%arg0: i32) -> (i32, i32) {
    %c0_i32 = arith.constant 0 : i32
    %c0_i32_0 = arith.constant 0 : i32
    %c0_i32_1 = arith.constant 0 : i32
    return %c0_i32, %c0_i32_0 : i32, i32
  }
  func.func @transform_3(%arg0: i32) -> (i32, i32) {
    %c0_i32 = arith.constant 0 : i32
    %c0_i32_0 = arith.constant 0 : i32
    %c0_i32_1 = arith.constant 0 : i32
    return %c0_i32, %c0_i32_0 : i32, i32
  }
  func.func @transform_4(%arg0: i32) -> (i32, i32) {
    %c0_i32 = arith.constant 0 : i32
    %c0_i32_0 = arith.constant 0 : i32
    %c0_i32_1 = arith.constant 0 : i32
    return %c0_i32, %c0_i32_0 : i32, i32
  }
  func.func @transform_5(%arg0: i32) -> (i32, i32) {
    %c0_i32 = arith.constant 0 : i32
    %c0_i32_0 = arith.constant 0 : i32
    %c0_i32_1 = arith.constant 0 : i32
    return %c0_i32, %c0_i32_0 : i32, i32
  }
  func.func @transform_6(%arg0: i32) -> (i32, i32) {
    %c0_i32 = arith.constant 0 : i32
    %c0_i32_0 = arith.constant 0 : i32
    %c0_i32_1 = arith.constant 0 : i32
    return %c0_i32, %c0_i32_0 : i32, i32
  }
  func.func @transform_7(%arg0: i32) -> (i32, i32) {
    %c0_i32 = arith.constant 0 : i32
    %c0_i32_0 = arith.constant 0 : i32
    %c0_i32_1 = arith.constant 0 : i32
    return %c0_i32, %c0_i32_0 : i32, i32
  }
  func.func @transform_8(%arg0: i32) -> (i32, i32) {
    %c0_i32 = arith.constant 0 : i32
    %c0_i32_0 = arith.constant 0 : i32
    %c0_i32_1 = arith.constant 0 : i32
    return %c0_i32, %c0_i32_0 : i32, i32
  }
  func.func @transform_9(%arg0: i32) -> (i32, i32) {
    %c0_i32 = arith.constant 0 : i32
    %c0_i32_0 = arith.constant 0 : i32
    %c0_i32_1 = arith.constant 0 : i32
    return %c0_i32, %c0_i32_0 : i32, i32
  }
  func.func @transform_10(%arg0: i32) -> (i32, i32) {
    %c0_i32 = arith.constant 0 : i32
    %c0_i32_0 = arith.constant 0 : i32
    %c0_i32_1 = arith.constant 0 : i32
    return %c0_i32, %c0_i32_0 : i32, i32
  }
  func.func @transform_11(%arg0: i32) -> (i32, i32) {
    %c0_i32 = arith.constant 0 : i32
    %c0_i32_0 = arith.constant 0 : i32
    %c0_i32_1 = arith.constant 0 : i32
    return %c0_i32, %c0_i32_0 : i32, i32
  }
  func.func @transform_12(%arg0: i32) -> (i32, i32) {
    %c0_i32 = arith.constant 0 : i32
    %c0_i32_0 = arith.constant 0 : i32
    %c0_i32_1 = arith.constant 0 : i32
    return %c0_i32, %c0_i32_0 : i32, i32
  }
  func.func @transform_13(%arg0: i32) -> (i32, i32, i32) {
    %c0_i32 = arith.constant 0 : i32
    %c0_i32_0 = arith.constant 0 : i32
    %c0_i32_1 = arith.constant 0 : i32
    return %arg0, %c0_i32, %c0_i32_0 : i32, i32, i32
  }
}

</mosaic_0001>

<sc_bundles>
// kernel: kernel.4.cloned.1.call-start
scs
__scs_entry_jumppad:
0x0: {  	(pc) =	sbr.rel $0x88, $3  }
0x1: {  	(tag) =	ssettag $0x0;
	lr =	simm.s32 $0x1  }
0x2: {  	[smem:$0x3F94] =	sst lr;
	_ =	strace $0xD0000000  }
0x3: {  	_ = 	snop  }
0x4: {  	_ = 	snop  }
0x5: {  	_ = 	snop  }
0x6: {  	_ = 	snop  }
0x7: {  	_ = 	snop  }
__scs_overlays_trampoline_lowered:
0x8: {  	[smem:$0x3FA3] =	sst s0  }
0x9: {  	[smem:$0x3FA4] =	sst s1  }
0xa: {  	[smem:$0x3FA5] =	sst s2  }
0xb: {  	[smem:$0x3FA6] =	sst s3  }
0xc: {  	[smem:$0x3FA7] =	sst s4  }
0xd: {  	[smem:$0x3FA8] =	sst s5  }
0xe: {  	[smem:$0x3FA9] =	sst s6  }
0xf: {  	[smem:$0x3FAA] =	sst s7  }
0x10: {  	[smem:$0x3FAB] =	sst s8  }
0x11: {  	[smem:$0x3FAC] =	sst s9;
	s0 =	simm.s32 @!p0 $0x0  }
0x12: {  	s1 =	sld [smem:$0x3F92];
	s0 =	simm.s32 @p0 $0x1  }
0x13: {  	[smem:$0x3FAD] =	sst s0;
	s0 =	simm.s32 @!p1 $0x0  }
0x14: {  	s2 =	sld [smem:$0x3F91];
	s0 =	simm.s32 @p1 $0x1  }
0x15: {  	[smem:$0x3FAE] =	sst s0;
	s0 =	simm.s32 @!p2 $0x0  }
0x16: {  	s3 =	sld [smem:$0x3FDB];
	s0 =	simm.s32 @p2 $0x1  }
0x17: {  	s4 =	simm.s32 $0x1BF5;
	[smem:$0x3FB0] =	sst s0  }
0x18: {  	s0 =	sld [smem:$0x3F93];
	_ =	swait.ge [sflag:s4], $0x0  }
0x19: {  	s7 =	sld [smem:$0x3F94]  }
0x1a: {  	s8 =	sadd.s32 $0xFFFFE003, lr  }
0x1b: {  	s9 =	sadd.s32 $0xFFFFFEF7, lr;
	s5 =	simm.s32 $0xFFFFFFFF;
	p2 =	slt.u32 s8, $0xFFFFF086  }
0x1c: {  	p1 =	slt.u32 s9, $0xF7A;
	s5 =	simm.s32 @!p2 $0x0  }
0x1d: {  	s5 =	simm.s32 @p1 $0x1;
	p0 =	seq.s32 s7, s2  }
0x1e: {  	s7 =	smul.u32 @!p0 $0xF7A, s2;
	p2 =	seq.s32 @!p0 s5, $0x0  }
0x1f: {  	s9 =	smul.u32 $0xF7A, s1;
	s8 =	simm.s32 @!p0 $0x1BF5;
	p2 =	por !p2, p0  }
0x20: {  	[sflag:s8] =	ssyncset.s32 @!p0 $0xFFFFF086;
	s6 =	sadd.s32 @!p0 s3, s7;
	s7 =	simm.s32 @!p0 $0x108  }
0x21: {  	s3 =	sadd.s32 s3, s9;
	s6 =	sadd.s32 @!p0 $0x88, s6;
	s7 =	simm.s32 @p2 $0x1082  }
0x22: {  	[simem:s7], [sflag:s8] =	dma.local @!p0 [hbm:s6], $0xF7A  }
0x23: {  	s9 =	sor.u32 $0xD0000000, s2;
	s6 =	simm.s32 $0x108;
	_ =	swait.ge @!p0 [sflag:s8], $0x0  }
0x24: {  	s3 =	sadd.s32 $0x88, s3;
	s6 =	simm.s32 @!p1 $0x1082;
	[sflag:s4] =	ssyncset.s32 $0xFFFFF086  }
0x25: {  	[simem:s6], [sflag:s4] =	dma.local [hbm:s3], $0xF7A  }
0x26: {  	[smem:$0x3F94] =	sst s1;
	(tag) =	ssettag s2;
	_ =	strace s9  }
0x27: {  	s1 =	sld [smem:$0x3FA4]  }
0x28: {  	s2 =	sld [smem:$0x3FA5]  }
0x29: {  	s4 =	sld [smem:$0x3FA7]  }
0x2a: {  	p0 =	seq.s32 s5, $0x0;
	s5 =	sld [smem:$0x3FA8]  }
0x2b: {  	s6 =	sld [smem:$0x3FA9]  }
0x2c: {  	s7 =	sld [smem:$0x3FAA]  }
0x2d: {  	s3 =	simm.s32 $0x108;
	s8 =	sld [smem:$0x3FAB]  }
0x2e: {  	s3 =	simm.s32 @!p0 $0x1082;
	s9 =	sld [smem:$0x3FAC]  }
0x2f: {  	lr =	sadd.s32 s0, s3;
	s0 =	sld [smem:$0x3FA3]  }
0x30: {  	s3 =	sld [smem:$0x3FA6]  }
0x31: {  	[smem:$0x3FAF] =	sst s10  }
0x32: {  	s10 =	sld [smem:$0x3FAD];
	_ =	sdelay $0x3  }
0x33: {  	p0 =	seq.s32 s10, $0x1;
	s10 =	sld [smem:$0x3FAF];
	_ =	sdelay $0x3  }
0x34: {  	[smem:$0x3FAF] =	sst s10  }
0x35: {  	s10 =	sld [smem:$0x3FAE];
	_ =	sdelay $0x3  }
0x36: {  	p1 =	seq.s32 s10, $0x1;
	s10 =	sld [smem:$0x3FAF];
	_ =	sdelay $0x3  }
0x37: {  	[smem:$0x3FAF] =	sst s10  }
0x38: {  	s10 =	sld [smem:$0x3FB0]  }
0x39: {  	_ = 	snop;
	(pc) =	sbr.ind lr, $3  }
0x3a: {  	_ = 	snop  }
0x3b: {  	_ = 	snop  }
0x3c: {  	p2 =	seq.s32 s10, $0x1;
	s10 =	sld [smem:$0x3FAF]  }
0x3d: {  	_ =	shalt  }
0x3e: {  	_ =	shalt  }
0x3f: {  	_ =	shalt  }
0x40: {  	_ =	shalt  }
0x41: {  	_ =	shalt  }
0x42: {  	_ =	shalt  }
0x43: {  	_ =	shalt  }
0x44: {  	_ =	shalt  }
0x45: {  	_ =	shalt  }
0x46: {  	_ =	shalt  }
0x47: {  	_ =	shalt  }
0x48: {  	_ =	shalt  }
0x49: {  	_ =	shalt  }
0x4a: {  	_ =	shalt  }
0x4b: {  	_ =	shalt  }
0x4c: {  	_ =	shalt  }
0x4d: {  	_ =	shalt  }
0x4e: {  	_ =	shalt  }
0x4f: {  	_ =	shalt  }
0x50: {  	_ =	shalt  }
0x51: {  	_ =	shalt  }
0x52: {  	_ =	shalt  }
0x53: {  	_ =	shalt  }
0x54: {  	_ =	shalt  }
0x55: {  	_ =	shalt  }
0x56: {  	_ =	shalt  }
0x57: {  	_ =	shalt  }
0x58: {  	_ =	shalt  }
0x59: {  	_ =	shalt  }
0x5a: {  	_ =	shalt  }
0x5b: {  	_ =	shalt  }
0x5c: {  	_ =	shalt  }
0x5d: {  	_ =	shalt  }
0x5e: {  	_ =	shalt  }
0x5f: {  	_ =	shalt  }
0x60: {  	_ =	shalt  }
0x61: {  	_ =	shalt  }
0x62: {  	_ =	shalt  }
0x63: {  	_ =	shalt  }
0x64: {  	_ =	shalt  }
0x65: {  	_ =	shalt  }
0x66: {  	_ =	shalt  }
0x67: {  	_ =	shalt  }
0x68: {  	_ =	shalt  }
0x69: {  	_ =	shalt  }
0x6a: {  	_ =	shalt  }
0x6b: {  	_ =	shalt  }
0x6c: {  	_ =	shalt  }
0x6d: {  	_ =	shalt  }
0x6e: {  	_ =	shalt  }
0x6f: {  	_ =	shalt  }
0x70: {  	_ =	shalt  }
0x71: {  	_ =	shalt  }
0x72: {  	_ =	shalt  }
0x73: {  	_ =	shalt  }
0x74: {  	_ =	shalt  }
0x75: {  	_ =	shalt  }
0x76: {  	_ =	shalt  }
0x77: {  	_ =	shalt  }
0x78: {  	_ =	shalt  }
0x79: {  	_ =	shalt  }
0x7a: {  	_ =	shalt  }
0x7b: {  	_ =	shalt  }
0x7c: {  	_ =	shalt  }
0x7d: {  	_ =	shalt  }
0x7e: {  	_ =	shalt  }
0x7f: {  	_ =	shalt  }
0x80: {  	_ =	shalt  }
0x81: {  	_ =	shalt  }
0x82: {  	_ =	shalt  }
0x83: {  	_ =	shalt  }
0x84: {  	_ =	shalt  }
0x85: {  	_ =	shalt  }
0x86: {  	_ =	shalt  }
0x87: {  	_ =	shalt  }
.Lfunc_end0:
.L_simem_size_0:
called_computation_lowered:
.L_overlay_start_0:
0x88: {  	s2 =	sld [smem:$0x3FD9]  }
0x89: {  	s3 =	sld [smem:$0x3FFE];
	_ =	sdelay $0x1  }
0x8a: {  	s1 =	srdreg.scid  }
0x8b: {  	s0 =	sand.u32 $0x1, s1  }
0x8c: {  	s17 =	sshll.u32 s0, $0xA;
	s2 =	sadd.s32 s3, s2  }
0x8d: {  	s2 =	sadd.s32 s2, s17  }
0x8e: {  	[smem:$0x3FBB] =	sst s2  }
0x8f: {  	_ = 	snop  }
0x90: {  	s2 =	sld [smem:$0x3FC9]  }
0x91: {  	s18 =	sld [smem:$0x3FD0];
	(tm) =	ssettm $0x1  }
0x92: {  	s4 =	sld [smem:$0x3FFB];
	_ =	sdelay $0x3  }
0x93: {  	_ =	strace s4  }
0x94: {  	s4 =	sld [smem:$0x3FFC];
	_ =	sdelay $0x3  }
0x95: {  	_ =	strace s4  }
0x96: {  	s4 =	sld [smem:$0x3FFD];
	_ =	sdelay $0x3  }
0x97: {  	_ =	strace s4  }
0x98: {  	_ =	strace $0x8FFFFFFF  }
0x99: {  	s19 =	sld [smem:$0x3FDB];
	_ =	sdelay $0x1  }
0x9a: {  	s5 =	simm.s32 $_scs_section_size  }
0x9b: {  	s6 =	simm.s32 $_size__tile_overlayer_lowered;
	s7 =	simm.s32 $_tile_overlayer_lowered  }
0x9c: {  	s22 =	simm.s32 $0x1BFF;
	s21 =	sshll.u32 s7, $0x1;
	s4 =	sadd.s32 s5, s19  }
0x9d: {  	s8 =	simm.s32 $0x0;
	s20 =	sshll.u32 s6, $0x1;
	s6 =	sadd.s32 s21, s4  }
0x9e: {  	[timem:s8], [sflag:s22] =	dma.local [hbm:s6], s20  }
0x9f: {  	_ =	swait.ge [sflag:s22], s20  }
0xa0: {  	s5 =	ssub.s32 $0x0, s20;
	[sflag:s22] =	ssyncset.done $0x0  }
0xa1: {  	[sflag:s22] =	ssyncadd.s32 s5;
	_ =	sdelay $0x1  }
0xa2: {  	s23 =	simm.s32 $0x1B8B  }
0xa3: {  	_ =	swait.ge [sflag:s23], $0x1  }
0xa4: {  	[sflag:s23] =	ssyncset.done $0x0  }
0xa5: {  	s25 =	simm.s32 $0x1B8E;
	s24 =	sld [smem:$0x3FFE];
	[sflag:s23] =	ssyncadd.s32 $0xFFFFFFFF  }
0xa6: {  	s26 =	simm.s32 $execute0_lowered;
	[smem:$0x3FD2] =	sst s25  }
0xa7: {  	s6 =	sshll.u32 s26, $0x1;
	_ =	strace $0x80000046;
	[dreg:$0x1] =	wrdreg $0xFFFFFFFF  }
0xa8: {  	s28 =	simm.s32 $_size_execute0_lowered;
	s4 =	sadd.s32 s4, s6;
	[dreg:$0x0] =	wrdreg $0x0  }
0xa9: {  	s6 =	sshll.u32 s28, $0x1;
	[dreg:$0x2] =	wrdreg s4  }
0xaa: {  	[dreg:$0x3] =	wrdreg s6  }
0xab: {  	[dreg:$0x4] =	wrdreg $0xC0  }
0xac: {  	_ =	task [dreg:s8], $0x5FFFF  }
0xad: {  	[dreg:$0x1] =	wrdreg $0xFFFFFFFF  }
0xae: {  	[dreg:$0x0] =	wrdreg $0x60  }
0xaf: {  	[dreg:$0x2] =	wrdreg s2  }
0xb0: {  	[dreg:$0x3] =	wrdreg s18  }
0xb1: {  	[dreg:$0x4] =	wrdreg s24  }
0xb2: {  	[dreg:$0x5] =	wrdreg $0x9  }
0xb3: {  	_ =	task.clear_ibuf [dreg:s8], $0x6FFFF;
	_ =	strace $0x90000046  }
0xb4: {  	s29 =	simm.s32 $0x9;
	_ =	strace $0x80000048  }
0xb5: {  	_ =	swait.ge [sflag:s29], $0x1  }
0xb6: {  	[sflag:s29] =	ssyncadd.s32 $0xFFFFFFFF  }
0xb7: {  	_ =	strace $0x90000048  }
0xb8: {  	_ =	sfence  }
0xb9: {  	s30 =	sld [smem:$0x0];
	_ =	sdelay $0x2  }
0xba: {  	s31 =	sshll.u32 s1, $0xD;
	s1 =	sshrl.u32 s1, $0x2  }
0xbb: {  	s3 =	sand.u32 $0x4000, s31;
	s1 =	sadd.s32 s1, s30  }
0xbc: {  	s0 =	sor.u32 s3, s0;
	s1 =	sshll.u32 s1, $0x11  }
0xbd: {  	s0 =	sor.u32 s1, s0  }
0xbe: {  	s0 =	sadd.s32 $0x8F2B, s0  }
0xbf: {  	[sflag:s0] =	ssyncadd.remote.s32 $0x1  }
0xc0: {  	_ =	sfence.sel $0xFFFF  }
0xc1: {  	[dreg:$0x0] =	wrdreg $0xFFFFFFFF;
	(pc) =	sbr.abs _section_cstart, $3  }
0xc2: {  	[dreg:$0x1] =	wrdreg $0xFFFFFFFF  }
0xc3: {  	_ =	task.clear_ibuf [dreg:s8], $0x2FFFF;
	_ =	strace $0x9FFFFFFF  }
0xc4: {  	(tm) =	ssettm $0x7FFFFFFF  }
0xc5: {  	_ =	shalt  }
tec
execute0_lowered:
.L_overlay_start_1:
0x0: {  	(tag) =	ssettag $0x1  }
0x1: {  	s1 =	rddreg [dreg:$0x0];
	s2 =	srdreg.scid  }
0x2: {  	s0 =	stileid.u32;
	s4 =	rddreg [dreg:$0x1]  }
0x3: {  	s5 =	rddreg [dreg:$0x2];
	s25 =	simm.s32 $0x880;
	s26 =	simm.s32 $0xC80  }
0x4: {  	s9 =	simm.s32 $0x1880;
	s10 =	simm.s32 $0x2080;
	s11 =	simm.s32 $0x2480  }
0x5: {  	s12 =	simm.s32 $0x2C80;
	s13 =	simm.s32 $0x3080;
	s14 =	simm.s32 $0x3880  }
0x6: {  	s15 =	simm.s32 $0x3C80;
	s16 =	simm.s32 $0x4480;
	s17 =	simm.s32 $0x4880  }
0x7: {  	s18 =	simm.s32 $0x5080;
	s19 =	simm.s32 $0x5480;
	s20 =	simm.s32 $0x5C80  }
0x8: {  	s21 =	simm.s32 $0x6080;
	s22 =	simm.s32 $0x6880;
	s23 =	simm.s32 $0x6C80  }
0x9: {  	s28 =	simm.s32 $0x8480;
	s2 =	sand.u32 $0x1, s2;
	s3 =	sshll.u32 s0, $0x1  }
0xa: {  	s29 =	simm.s32 $0x8C80;
	s30 =	simm.s32 $0x9080;
	s6 =	sor.u32 s2, s3  }
0xb: {  	s31 =	simm.s32 $0x9880;
	s3 =	simm.s32 $0x0;
	s7 =	smul.u32 $0x1380, s6  }
0xc: {  	s2 =	ssub.s32 $0x2, s2;
	[smem:$0x7FF] =	sst s3;
	s6 =	smul.u32 $0xD, s6  }
0xd: {  	s24 =	sshrl.u32 s2, $0x1;
	_ =	strace $0x80000047;
	[dreg:$0x6] =	wrdreg s25  }
0xe: {  	s2 =	ssub.s32 s2, s24;
	[dreg:$0x7] =	wrdreg s26;
	s24 =	simm.s32 $0x7480  }
0xf: {  	s25 =	simm.s32 $0x7880;
	s26 =	simm.s32 $0x8080;
	s5 =	sadd.s32 s7, s5  }
0x10: {  	v2 =	vlaneseq.u32;
	s4 =	sadd.s32 s4, s6;
	s6 =	simm.s32 $0x2;
	s7 =	simm.s32 $0x80  }
0x11: {  	vm0 =	vmmov $0xffff;
	vm1 =	vmmov $0xff;
	v1 =	vshrl.u32 v2, $0x3;
	[dreg:$0x4] =	wrdreg s4;
	s5 =	sadd.s32 $0x1C00, s5;
	s4 =	sadd.s32 $0x100, s1  }
0x12: {  	v0 =	vand.u32 $0x7, v2;
	v2 =	vor.u32 $0x8, v2;
	v1 =	vmul.u32 $0x8, v1;
	[dreg:$0x5] =	wrdreg s5;
	s5 =	smax.u32 s2, $0x1;
	s2 =	simm.s32 $0x1  }
.LBB2_1:
0x13: {  	s0 =	rddreg [dreg:$0x4]  }
0x14: {  	[tilespmem:s3], [sflag:$0x2] =	stream.linear.gather [hbm4b:s0+s3], $0x68, $0x38;
	[tilespmem:$0x9C80] =	vst v63  }
0x15: {  	_ =	swait.ge [sflag:s6], $0x68  }
0x16: {  	[sflag:s6] =	ssyncset.done $0x0  }
0x17: {  	[sflag:s6] =	ssyncadd.s32 $0xFFFFFF98  }
0x18: {  	v3 =	vld [tilespmem:$0x0];
	_ =	sdelay $0x4  }
0x19: {  	v4 =	vshrl.u32 v3, $0x3  }
0x1a: {  	v4 =	vmul.u32 $0x18, v4  }
0x1b: {  	v3 =	vand.u32 $0x7, v3  }
0x1c: {  	v3 =	vor.u32 v3, v4  }
0x1d: {  	v4 =	vperm.xlane v3, v0;
	_ =	sdelay $0x1  }
0x1e: {  	v4 =	vadd.s32 v1, v4;
	_ =	sdelay $0x1  }
0x1f: {  	v3 =	vperm.xlane v3, v2;
	_ =	sdelay $0x1  }
0x20: {  	v3 =	vadd.s32 v1, v3  }
0x21: {  	[tilespmem:s7], [sflag:$0x1] =	stream.indirect_vreg.gather [hbm4b:s1+s3], $0x80, v4, vm0, $0xb8;
	[tilespmem:$0x9C80] =	vst v63  }
0x22: {  	s0 =	rddreg [dreg:$0x6]  }
0x23: {  	[tilespmem:s0], [sflag:$0x1] =	stream.indirect_vreg.gather [hbm4b:s4+s3], $0x80, v4, vm1, $0xb8;
	[tilespmem:$0x9C80] =	vst v63  }
0x24: {  	s8 =	rddreg [dreg:$0x7]  }
0x25: {  	[tilespmem:s8], [sflag:$0x1] =	stream.indirect_vreg.gather [hbm4b:s1+s3], $0x80, v3, vm0, $0xb8;
	[tilespmem:$0x9C80] =	vst v63  }
0x26: {  	s8 =	simm.s32 $0x1480  }
0x27: {  	[tilespmem:s8], [sflag:$0x1] =	stream.indirect_vreg.gather [hbm4b:s4+s3], $0x80, v3, vm1, $0xb8;
	[tilespmem:$0x9C80] =	vst v63  }
0x28: {  	v3 =	vld [tilespmem:$0x10];
	_ =	sdelay $0x4  }
0x29: {  	v58 =	vshrl.u32 v3, $0x3  }
0x2a: {  	v4 =	vmul.u32 $0x18, v58  }
0x2b: {  	v3 =	vand.u32 $0x7, v3  }
0x2c: {  	v3 =	vor.u32 v3, v4  }
0x2d: {  	v4 =	vperm.xlane v3, v0;
	_ =	sdelay $0x1  }
0x2e: {  	v4 =	vadd.s32 v1, v4;
	_ =	sdelay $0x1  }
0x2f: {  	v3 =	vperm.xlane v3, v2;
	_ =	sdelay $0x1  }
0x30: {  	v3 =	vadd.s32 v1, v3  }
0x31: {  	[tilespmem:s9], [sflag:$0x1] =	stream.indirect_vreg.gather [hbm4b:s1+s3], $0x80, v4, vm0, $0xb8;
	[tilespmem:$0x9C80] =	vst v63  }
0x32: {  	_ = 	snop  }
0x33: {  	[tilespmem:s10], [sflag:$0x1] =	stream.indirect_vreg.gather [hbm4b:s4+s3], $0x80, v4, vm1, $0xb8;
	[tilespmem:$0x9C80] =	vst v63  }
0x34: {  	_ = 	snop  }
0x35: {  	[tilespmem:s11], [sflag:$0x1] =	stream.indirect_vreg.gather [hbm4b:s1+s3], $0x80, v3, vm0, $0xb8;
	[tilespmem:$0x9C80] =	vst v63  }
0x36: {  	_ = 	snop  }
0x37: {  	[tilespmem:s12], [sflag:$0x1] =	stream.indirect_vreg.gather [hbm4b:s4+s3], $0x80, v3, vm1, $0xb8;
	[tilespmem:$0x9C80] =	vst v63  }
0x38: {  	v3 =	vld [tilespmem:$0x20];
	_ =	sdelay $0x4  }
0x39: {  	v59 =	vshrl.u32 v3, $0x3  }
0x3a: {  	v4 =	vmul.u32 $0x18, v59  }
0x3b: {  	v3 =	vand.u32 $0x7, v3  }
0x3c: {  	v3 =	vor.u32 v3, v4  }
0x3d: {  	v4 =	vperm.xlane v3, v0;
	_ =	sdelay $0x1  }
0x3e: {  	v4 =	vadd.s32 v1, v4;
	_ =	sdelay $0x1  }
0x3f: {  	v3 =	vperm.xlane v3, v2;
	_ =	sdelay $0x1  }
0x40: {  	v3 =	vadd.s32 v1, v3  }
0x41: {  	[tilespmem:s13], [sflag:$0x1] =	stream.indirect_vreg.gather [hbm4b:s1+s3], $0x80, v4, vm0, $0xb8;
	[tilespmem:$0x9C80] =	vst v63  }
0x42: {  	_ = 	snop  }
0x43: {  	[tilespmem:s14], [sflag:$0x1] =	stream.indirect_vreg.gather [hbm4b:s4+s3], $0x80, v4, vm1, $0xb8;
	[tilespmem:$0x9C80] =	vst v63  }
0x44: {  	_ = 	snop  }
0x45: {  	[tilespmem:s15], [sflag:$0x1] =	stream.indirect_vreg.gather [hbm4b:s1+s3], $0x80, v3, vm0, $0xb8;
	[tilespmem:$0x9C80] =	vst v63  }
0x46: {  	_ = 	snop  }
0x47: {  	[tilespmem:s16], [sflag:$0x1] =	stream.indirect_vreg.gather [hbm4b:s4+s3], $0x80, v3, vm1, $0xb8;
	[tilespmem:$0x9C80] =	vst v63  }
0x48: {  	v3 =	vld [tilespmem:$0x30];
	_ =	sdelay $0x4  }
0x49: {  	v60 =	vshrl.u32 v3, $0x3  }
0x4a: {  	v4 =	vmul.u32 $0x18, v60  }
0x4b: {  	v3 =	vand.u32 $0x7, v3  }
0x4c: {  	v3 =	vor.u32 v3, v4  }
0x4d: {  	v4 =	vperm.xlane v3, v0;
	_ =	sdelay $0x1  }
0x4e: {  	v4 =	vadd.s32 v1, v4;
	_ =	sdelay $0x1  }
0x4f: {  	v3 =	vperm.xlane v3, v2;
	_ =	sdelay $0x1  }
0x50: {  	v3 =	vadd.s32 v1, v3  }
0x51: {  	[tilespmem:s17], [sflag:$0x1] =	stream.indirect_vreg.gather [hbm4b:s1+s3], $0x80, v4, vm0, $0xb8;
	[tilespmem:$0x9C80] =	vst v63  }
0x52: {  	_ = 	snop  }
0x53: {  	[tilespmem:s18], [sflag:$0x1] =	stream.indirect_vreg.gather [hbm4b:s4+s3], $0x80, v4, vm1, $0xb8;
	[tilespmem:$0x9C80] =	vst v63  }
0x54: {  	_ = 	snop  }
0x55: {  	[tilespmem:s19], [sflag:$0x1] =	stream.indirect_vreg.gather [hbm4b:s1+s3], $0x80, v3, vm0, $0xb8;
	[tilespmem:$0x9C80] =	vst v63  }
0x56: {  	_ = 	snop  }
0x57: {  	[tilespmem:s20], [sflag:$0x1] =	stream.indirect_vreg.gather [hbm4b:s4+s3], $0x80, v3, vm1, $0xb8;
	[tilespmem:$0x9C80] =	vst v63  }
0x58: {  	v3 =	vld [tilespmem:$0x40];
	_ =	sdelay $0x4  }
0x59: {  	v61 =	vshrl.u32 v3, $0x3  }
0x5a: {  	v4 =	vmul.u32 $0x18, v61  }
0x5b: {  	v3 =	vand.u32 $0x7, v3  }
0x5c: {  	v3 =	vor.u32 v3, v4  }
0x5d: {  	v4 =	vperm.xlane v3, v0;
	_ =	sdelay $0x1  }
0x5e: {  	v4 =	vadd.s32 v1, v4;
	_ =	sdelay $0x1  }
0x5f: {  	v3 =	vperm.xlane v3, v2;
	_ =	sdelay $0x1  }
0x60: {  	v3 =	vadd.s32 v1, v3  }
0x61: {  	[tilespmem:s21], [sflag:$0x1] =	stream.indirect_vreg.gather [hbm4b:s1+s3], $0x80, v4, vm0, $0xb8;
	[tilespmem:$0x9C80] =	vst v63  }
0x62: {  	_ = 	snop  }
0x63: {  	[tilespmem:s22], [sflag:$0x1] =	stream.indirect_vreg.gather [hbm4b:s4+s3], $0x80, v4, vm1, $0xb8;
	[tilespmem:$0x9C80] =	vst v63  }
0x64: {  	_ = 	snop  }
0x65: {  	[tilespmem:s23], [sflag:$0x1] =	stream.indirect_vreg.gather [hbm4b:s1+s3], $0x80, v3, vm0, $0xb8;
	[tilespmem:$0x9C80] =	vst v63  }
0x66: {  	_ = 	snop  }
0x67: {  	[tilespmem:s24], [sflag:$0x1] =	stream.indirect_vreg.gather [hbm4b:s4+s3], $0x80, v3, vm1, $0xb8;
	[tilespmem:$0x9C80] =	vst v63  }
0x68: {  	v3 =	vld [tilespmem:$0x50];
	_ =	sdelay $0x4  }
0x69: {  	v62 =	vshrl.u32 v3, $0x3  }
0x6a: {  	v4 =	vmul.u32 $0x18, v62  }
0x6b: {  	v3 =	vand.u32 $0x7, v3  }
0x6c: {  	v3 =	vor.u32 v3, v4  }
0x6d: {  	v4 =	vperm.xlane v3, v0;
	_ =	sdelay $0x1  }
0x6e: {  	v4 =	vadd.s32 v1, v4;
	_ =	sdelay $0x1  }
0x6f: {  	v3 =	vperm.xlane v3, v2;
	_ =	sdelay $0x1  }
0x70: {  	v3 =	vadd.s32 v1, v3  }
0x71: {  	[tilespmem:s25], [sflag:$0x1] =	stream.indirect_vreg.gather [hbm4b:s1+s3], $0x80, v4, vm0, $0xb8;
	[tilespmem:$0x9C80] =	vst v63  }
0x72: {  	_ = 	snop  }
0x73: {  	[tilespmem:s26], [sflag:$0x1] =	stream.indirect_vreg.gather [hbm4b:s4+s3], $0x80, v4, vm1, $0xb8;
	[tilespmem:$0x9C80] =	vst v63  }
0x74: {  	_ = 	snop  }
0x75: {  	[tilespmem:s28], [sflag:$0x1] =	stream.indirect_vreg.gather [hbm4b:s1+s3], $0x80, v3, vm0, $0xb8;
	[tilespmem:$0x9C80] =	vst v63  }
0x76: {  	_ = 	snop  }
0x77: {  	[tilespmem:s29], [sflag:$0x1] =	stream.indirect_vreg.gather [hbm4b:s4+s3], $0x80, v3, vm1, $0xb8;
	[tilespmem:$0x9C80] =	vst v63  }
0x78: {  	v3 =	vld.msk [tilespmem:$0x60], $0xff;
	_ =	sdelay $0x4  }
0x79: {  	v63 =	vshrl.u32 v3, $0x3  }
0x7a: {  	v4 =	vmul.u32 $0x18, v63  }
0x7b: {  	v3 =	vand.u32 $0x7, v3  }
0x7c: {  	v3 =	vor.u32 v3, v4  }
0x7d: {  	v3 =	vperm.xlane v3, v0;
	_ =	sdelay $0x1  }
0x7e: {  	v3 =	vadd.s32 v1, v3;
	_ =	sdelay $0x4  }
0x7f: {  	[tilespmem:s30], [sflag:$0x1] =	stream.indirect_vreg.gather [hbm4b:s1+s3], $0x80, v3, vm0, $0xb8;
	[tilespmem:$0x9C80] =	vst v63  }
0x80: {  	_ = 	snop  }
0x81: {  	[tilespmem:s31], [sflag:$0x1] =	stream.indirect_vreg.gather [hbm4b:s4+s3], $0x80, v3, vm1, $0xb8;
	[tilespmem:$0x9C80] =	vst v63  }
0x82: {  	_ =	swait.ge [sflag:s2], $0x9C00  }
0x83: {  	p0 =	sne.s32 s5, $0x1;
	[sflag:s2] =	ssyncset.done $0x0  }
.Ltmp0:
0x84: {  	s8 =	rddreg [dreg:$0x5];
	[sflag:s2] =	ssyncadd.s32 $0xFFFF6400;
	(pc) =	sbr.rel @p0 .LBB2_1-.Ltmp0, $4  }
0x85: {  	[hbm4b:s8+s3] =	stream.linear.scatter [tilespmem:s7], [sflag:$0x2], $0x9C00, $0x38;
	[tilespmem:$0x9C80] =	vst v63  }
0x86: {  	_ =	swait.ge [sflag:s6], $0x9C00  }
0x87: {  	[sflag:s6] =	ssyncset.done $0x0  }
0x88: {  	s5 =	sadd.s32 $0xFFFFFFFF, s5;
	[sflag:s6] =	ssyncadd.s32 $0xFFFF6400  }
0x89: {  	_ =	sfence.sel $0x180000  }
0x8a: {  	[bflag:$0x0] =	sbarrier.arrive $0xFFFF  }
0x8b: {  	_ =	strace $0x90000047  }
0x8c: {  	s0 =	stileid.u32;
	[bflag:$0x2] =	sbarrier.arrive $0xFFFF  }
0x8d: {  	p0 =	sne.s32 s0, $0x0;
	s0 =	rddreg [dreg:$0x3]  }
0x8e: {  	s0 =	sadd.s32 @!p0 $0x100000, s0  }
0x8f: {  	[sflag:s0] =	ssyncadd.tile.s32 @!p0 $0x1;
	_ =	shalt  }
.Lfunc_end2:
_tile_overlayer_lowered:
.L_overlay_start_2:
0x90: {  	(tag) =	ssettag $0x2  }
0x91: {  	s0 =	rddreg [dreg:$0x0];
	s2 =	stileid.u32  }
0x92: {  	s1 =	rddreg [dreg:$0x1];
	p0 =	sne.s32 s2, $0x0  }
0x93: {  	s3 =	rddreg [dreg:$0x2];
	[bflag:$0x3] =	sbarrier.arrive $0xFFFF;
	s2 =	simm.s32 @!p0 $0x1C02  }
0x94: {  	[timem:s3], [sflag:s2] =	dma.local @!p0 [hbm:s0], s1  }
0x95: {  	s0 =	simm.s32 @!p0 $0x2  }
0x96: {  	_ =	swait.ge @!p0 [sflag:s0], s1  }
0x97: {  	s1 =	ssub.s32 @!p0 $0x0, s1;
	[sflag:s0] =	ssyncset.done @!p0 $0x0  }
0x98: {  	[sflag:s0] =	ssyncadd.s32 @!p0 s1  }
0x99: {  	[bflag:$0x3] =	sbarrier.arrive $0xFFFF  }
0x9a: {  	_ =	shalt  }

</sc_bundles>
